<compile_context>
chip_gen: v7x
topology: tpu7x:2x2x1
jax: 0.10.2.dev20260603
libtpu: 0.0.44.dev20260713+nightly
codegen_flags: <defaults>
</compile_context>

<pallas_src>
import functools

import jax
import jax.numpy as jnp
from jax import lax
from jax.experimental import pallas as pl
from jax.experimental.pallas import tpu as pltpu
from jax.experimental.pallas import tpu_sc as plsc

N_FIELDS = 26
VOCAB = 1000000
BATCH = 16384
NC = 2
NS = 16
L = 16
FPC = N_FIELDS // NC
RPT = BATCH // NS

ALIGNED = 999936
TAIL_IN = VOCAB - 128
ST_STRIDE = 62464
ST_WIDTH = 62976
TAILBASE = 2 * ALIGNED
S_WORDS = TAILBASE + N_FIELDS * 128
TAIL_CHUNK = (N_FIELDS * 128) // NS

_mesh = plsc.VectorSubcoreMesh(core_axis_name="c", subcore_axis_name="s")


@functools.partial(
    pl.kernel,
    mesh=_mesh,
    out_type=jax.ShapeDtypeStruct((NC * BATCH,), jnp.float32),
    scratch_types=[
        pltpu.VMEM_SHARED((S_WORDS,), jnp.float32),
        pltpu.VMEM((RPT,), jnp.int32),
        pltpu.VMEM((RPT,), jnp.int32),
        pltpu.VMEM((RPT,), jnp.float32),
        pltpu.VMEM((RPT,), jnp.float32),
        pltpu.SemaphoreType.DMA,
        pltpu.SemaphoreType.DMA,
        pltpu.SemaphoreType.DMA,
    ],
)
def _sc_partial(xt_hbm, table_hbm, tail_hbm, out_hbm, smem, idxA, idxB,
                vals_v, acc_v, stage_sem, gather_sem, idx_sem):
    cid = lax.axis_index("c")
    sid = lax.axis_index("s")
    col = sid * ST_STRIDE
    idxs = (idxA, idxB)

    def fire_idx(j):
        f = cid * FPC + j
        pltpu.async_copy(
            xt_hbm.at[pl.ds(f * BATCH + sid * RPT, RPT)], idxs[j % 2], idx_sem)

    def wait_idx(j):
        pltpu.make_async_copy(
            xt_hbm.at[pl.ds(sid * RPT, RPT)], idxs[j % 2], idx_sem).wait()

    HW = ST_WIDTH // 2

    def fire_stage(j):
        base = (j % 2) * ALIGNED
        row = table_hbm.at[cid * FPC + j]
        pltpu.async_copy(
            row.at[pl.ds(col, HW)], smem.at[pl.ds(base + col, HW)], stage_sem)
        pltpu.async_copy(
            row.at[pl.ds(col + HW, HW)],
            smem.at[pl.ds(base + col + HW, HW)], stage_sem)

    def wait_stage(j):
        base = (j % 2) * ALIGNED
        pltpu.make_async_copy(
            table_hbm.at[0].at[pl.ds(col, ST_WIDTH)],
            smem.at[pl.ds(base + col, ST_WIDTH)], stage_sem).wait()

    fire_stage(0)
    fire_idx(0)
    pltpu.sync_copy(tail_hbm.at[pl.ds(sid * TAIL_CHUNK, TAIL_CHUNK)],
                    vals_v.at[pl.ds(0, TAIL_CHUNK)])
    pltpu.sync_copy(vals_v.at[pl.ds(0, TAIL_CHUNK)],
                    smem.at[pl.ds(TAILBASE + sid * TAIL_CHUNK, TAIL_CHUNK)])
    wait_stage(0)
    plsc.subcore_barrier()

    def init_body(c, carry):
        s = pl.multiple_of(c * L, L)
        acc_v[pl.ds(s, L)] = jnp.zeros((L,), jnp.float32)
        return carry

    lax.fori_loop(0, RPT // L, init_body, 0)

    for j in range(FPC):
        if j + 1 < FPC:
            fire_stage(j + 1)
            fire_idx(j + 1)
        f = cid * FPC + j
        idx_v = idxs[j % 2]
        wait_idx(j)
        base = (j % 2) * ALIGNED
        tail_shift = TAILBASE - TAIL_IN + f * 128

        def remap_body(c, carry):
            s = pl.multiple_of(c * L, L)
            v = idx_v[pl.ds(s, L)]
            shift = jnp.where(v >= ALIGNED, tail_shift, base)
            idx_v[pl.ds(s, L)] = v + shift
            return carry

        lax.fori_loop(0, RPT // L, remap_body, 0)
        pltpu.async_copy(smem.at[idx_v], vals_v, gather_sem).wait()

        def red_body(c, carry):
            s = pl.multiple_of(c * L, L)
            acc_v[pl.ds(s, L)] = acc_v[pl.ds(s, L)] + vals_v[pl.ds(s, L)]
            return carry

        lax.fori_loop(0, RPT // L, red_body, 0)
        if j + 1 < FPC:
            wait_stage(j + 1)
            plsc.subcore_barrier()

    pltpu.sync_copy(acc_v, out_hbm.at[pl.ds(cid * BATCH + sid * RPT, RPT)])


def _combine_body(partial_ref, out_ref):
    s = jnp.sum(partial_ref[...], axis=0, keepdims=True)
    out_ref[...] = 1.0 / (1.0 + jnp.exp(-s))


_combine = pl.pallas_call(
    _combine_body,
    out_shape=jax.ShapeDtypeStruct((1, BATCH), jnp.float32),
)


def kernel(X, lin_table):
    xt = X.T.reshape(-1)
    tail = lax.slice(lin_table, (0, TAIL_IN), (N_FIELDS, VOCAB)).reshape(-1)
    partial = _sc_partial(xt, lin_table, tail).reshape(NC, BATCH)
    return _combine(partial).reshape(BATCH, 1)

# --- scband reference (transcript-rebuilt; emitter-appended) ---
"""Pipeline reference for scband-mybase-model-25374666785600 (READ-ONLY COPY).

The authoritative reference and input builder live on the scoring server;
editing this copy changes nothing except your own understanding.
"""

import jax, jax.numpy as jnp
import numpy as np

N_FIELDS = 26
VOCAB = 1000000
BATCH = 16384
INIT_STD = 1e-4


def setup_inputs(seed: int = 0) -> dict:
    key = jax.random.key(seed)
    kx, kt = jax.random.split(key)
    # X holds one sparse-feature index per field (Criteo-style 26 categorical fields).
    X = jax.random.randint(kx, (BATCH, N_FIELDS), 0, VOCAB, dtype=jnp.int32)
    # Per-field linear embedding tables (embedding_dim=1), stacked: [n_fields, vocab].
    lin_table = jax.random.normal(kt, (N_FIELDS, VOCAB), dtype=jnp.float32) * INIT_STD
    return {"X": X, "lin_table": lin_table}


def reference(X, lin_table):
    # Faithful translation of Linear.forward for sparse-only feature columns,
    # followed by PredictionLayer(task='binary') (sigmoid).
    # For each field f and row b: emb[b, f] = lin_table[f, X[b, f]]  (embedding lookup, dim=1)
    emb = jnp.take_along_axis(lin_table, X.T.astype(jnp.int32), axis=1).T  # [B, n_fields]
    # torch.cat(sparse_embedding_list, dim=-1) then sum over last dim -> [B]
    sparse_feat_logit = jnp.sum(emb, axis=-1, keepdims=True)  # [B, 1]
    linear_logit = jnp.zeros((X.shape[0], 1), dtype=jnp.float32) + sparse_feat_logit
    # PredictionLayer('binary') applies sigmoid
    return jax.nn.sigmoid(linear_logit)

if __name__ == "__main__":
    import jax
    _d = setup_inputs()
    print(jax.jit(kernel)(*tuple(_d.values())))

</pallas_src>

<mosaic_0001>
#map = affine_map<(d0, d1) -> (0)>
#map1 = affine_map<(d0, d1) -> (0, 0)>
module attributes {stable_mosaic.version = 14 : i64} {
  func.func @_sc_partial(%arg0: i32, %arg1: i32, %arg2: memref<425984xi32, #tpu.memory_space<hbm>>, %arg3: memref<26x1000000xf32, #tpu.memory_space<hbm>>, %arg4: memref<3328xf32, #tpu.memory_space<hbm>>, %arg5: memref<32768xf32, #tpu.memory_space<hbm>>, %arg6: memref<2003200xf32, #tpu.memory_space<vmem_shared>>, %arg7: memref<1024xi32, #tpu.memory_space<vmem>>, %arg8: memref<1024xi32, #tpu.memory_space<vmem>>, %arg9: memref<1024xf32, #tpu.memory_space<vmem>>, %arg10: memref<1024xf32, #tpu.memory_space<vmem>>, %arg11: memref<!tpu.dma_semaphore, #tpu.memory_space<semaphore_mem>>, %arg12: memref<!tpu.dma_semaphore, #tpu.memory_space<semaphore_mem>>, %arg13: memref<!tpu.dma_semaphore, #tpu.memory_space<semaphore_mem>>) attributes {dimension_semantics = [#tpu.dimension_semantics<core_parallel>, #tpu.dimension_semantics<subcore_parallel>], iteration_bounds = array<i64: 2, 16>, scalar_prefetch = 0 : i64, scratch_operands = 8 : i64, tpu.core_type = #tpu.core_type<sc_vector_subcore>, window_params = [{transform_indices = #map}, {transform_indices = #map1}, {transform_indices = #map}, {transform_indices = #map}]} {
    %mul3A = arith.constant 62464 : i32
    %mul3A_0 = arith.muli %arg1, %mul3A : i32
    %mul3A_1 = arith.constant 13 : i32
    %mul3A_2 = arith.muli %arg0, %mul3A_1 : i32
    %add3A = arith.constant 0 : i32
    %add3A_3 = arith.addi %mul3A_2, %add3A : i32
    %add3A_4 = arith.constant 0 : i32
    %add3A_5 = arith.addi %add3A_4, %mul3A_0 : i32
    %dma_start3A = tpu.memref_slice %arg6[%add3A_5] : memref<2003200xf32, #tpu.memory_space<vmem_shared>> -> memref<31488xf32, #tpu.memory_space<vmem_shared>>
    %dma_start3A_6 = arith.constant 0 : i32
    %dma_start3A_7 = tpu.memref_slice %arg3[%add3A_3, %dma_start3A_6] : memref<26x1000000xf32, #tpu.memory_space<hbm>> -> memref<1x1000000xf32, #tpu.memory_space<hbm>>
    %dma_start3A_8 = tpu.memref_squeeze %dma_start3A_7 : memref<1x1000000xf32, #tpu.memory_space<hbm>> -> memref<1000000xf32, #tpu.memory_space<hbm>>
    %dma_start3A_9 = tpu.memref_slice %dma_start3A_8[%mul3A_0] : memref<1000000xf32, #tpu.memory_space<hbm>> -> memref<31488xf32, #tpu.memory_space<hbm>>
    tpu.enqueue_dma source(%dma_start3A_9 : memref<31488xf32, #tpu.memory_space<hbm>>) target(%dma_start3A : memref<31488xf32, #tpu.memory_space<vmem_shared>>) target_semaphore(%arg11 : memref<!tpu.dma_semaphore, #tpu.memory_space<semaphore_mem>>)
    %add3A_10 = arith.constant 31488 : i32
    %add3A_11 = arith.addi %mul3A_0, %add3A_10 : i32
    %add3A_12 = arith.constant 0 : i32
    %add3A_13 = arith.addi %add3A_12, %mul3A_0 : i32
    %add3A_14 = arith.constant 31488 : i32
    %add3A_15 = arith.addi %add3A_13, %add3A_14 : i32
    %dma_start3A_16 = tpu.memref_slice %arg6[%add3A_15] : memref<2003200xf32, #tpu.memory_space<vmem_shared>> -> memref<31488xf32, #tpu.memory_space<vmem_shared>>
    %dma_start3A_17 = arith.constant 0 : i32
    %dma_start3A_18 = tpu.memref_slice %arg3[%add3A_3, %dma_start3A_17] : memref<26x1000000xf32, #tpu.memory_space<hbm>> -> memref<1x1000000xf32, #tpu.memory_space<hbm>>
    %dma_start3A_19 = tpu.memref_squeeze %dma_start3A_18 : memref<1x1000000xf32, #tpu.memory_space<hbm>> -> memref<1000000xf32, #tpu.memory_space<hbm>>
    %dma_start3A_20 = tpu.memref_slice %dma_start3A_19[%add3A_11] : memref<1000000xf32, #tpu.memory_space<hbm>> -> memref<31488xf32, #tpu.memory_space<hbm>>
    tpu.enqueue_dma source(%dma_start3A_20 : memref<31488xf32, #tpu.memory_space<hbm>>) target(%dma_start3A_16 : memref<31488xf32, #tpu.memory_space<vmem_shared>>) target_semaphore(%arg11 : memref<!tpu.dma_semaphore, #tpu.memory_space<semaphore_mem>>)
    %mul3A_21 = arith.constant 13 : i32
    %mul3A_22 = arith.muli %arg0, %mul3A_21 : i32
    %add3A_23 = arith.constant 0 : i32
    %add3A_24 = arith.addi %mul3A_22, %add3A_23 : i32
    %mul3A_25 = arith.constant 16384 : i32
    %mul3A_26 = arith.muli %add3A_24, %mul3A_25 : i32
    %mul3A_27 = arith.constant 1024 : i32
    %mul3A_28 = arith.muli %arg1, %mul3A_27 : i32
    %add3A_29 = arith.addi %mul3A_26, %mul3A_28 : i32
    %dma_start3A_30 = tpu.memref_slice %arg2[%add3A_29] : memref<425984xi32, #tpu.memory_space<hbm>> -> memref<1024xi32, #tpu.memory_space<hbm>>
    %dma_start3A_31 = tpu.memref_slice %arg2[%add3A_29] : memref<425984xi32, #tpu.memory_space<hbm>> -> memref<1024xi32, #tpu.memory_space<hbm>>
    tpu.enqueue_dma source(%dma_start3A_31 : memref<1024xi32, #tpu.memory_space<hbm>>) target(%arg7 : memref<1024xi32, #tpu.memory_space<vmem>>) target_semaphore(%arg13 : memref<!tpu.dma_semaphore, #tpu.memory_space<semaphore_mem>>)
    %mul3A_32 = arith.constant 208 : i32
    %mul3A_33 = arith.muli %arg1, %mul3A_32 : i32
    "tpu.region"() ({
      %run_scoped3A = tpu.sem_alloc : memref<!tpu.dma_semaphore, #tpu.memory_space<semaphore_mem>>
      %dma_start3A_923 = arith.constant 0 : i32
      %dma_start3A_924 = tpu.memref_slice %arg9[%dma_start3A_923] : memref<1024xf32, #tpu.memory_space<vmem>> -> memref<208xf32, #tpu.memory_space<vmem>>
      %dma_start3A_925 = tpu.memref_slice %arg4[%mul3A_33] : memref<3328xf32, #tpu.memory_space<hbm>> -> memref<208xf32, #tpu.memory_space<hbm>>
      %dma_start3A_926 = arith.constant 0 : i32
      %dma_start3A_927 = tpu.memref_slice %arg9[%dma_start3A_926] : memref<1024xf32, #tpu.memory_space<vmem>> -> memref<208xf32, #tpu.memory_space<vmem>>
      %dma_start3A_928 = tpu.memref_slice %arg4[%mul3A_33] : memref<3328xf32, #tpu.memory_space<hbm>> -> memref<208xf32, #tpu.memory_space<hbm>>
      tpu.enqueue_dma source(%dma_start3A_928 : memref<208xf32, #tpu.memory_space<hbm>>) target(%dma_start3A_927 : memref<208xf32, #tpu.memory_space<vmem>>) target_semaphore(%run_scoped3A : memref<!tpu.dma_semaphore, #tpu.memory_space<semaphore_mem>>)
      %dma_wait3A_929 = arith.constant 0 : i32
      %dma_wait3A_930 = tpu.memref_slice %arg9[%dma_wait3A_929] : memref<1024xf32, #tpu.memory_space<vmem>> -> memref<208xf32, #tpu.memory_space<vmem>>
      %dma_wait3A_931 = tpu.memref_slice %arg4[%mul3A_33] : memref<3328xf32, #tpu.memory_space<hbm>> -> memref<208xf32, #tpu.memory_space<hbm>>
      %dma_wait3A_932 = arith.constant 0 : i32
      %dma_wait3A_933 = tpu.memref_slice %arg9[%dma_wait3A_932] : memref<1024xf32, #tpu.memory_space<vmem>> -> memref<208xf32, #tpu.memory_space<vmem>>
      %dma_wait3A_934 = tpu.memref_slice %arg4[%mul3A_33] : memref<3328xf32, #tpu.memory_space<hbm>> -> memref<208xf32, #tpu.memory_space<hbm>>
      tpu.wait_dma2 semaphore(%run_scoped3A : memref<!tpu.dma_semaphore, #tpu.memory_space<semaphore_mem>>) src(%dma_wait3A_934 : memref<208xf32, #tpu.memory_space<hbm>>) dst(%dma_wait3A_933 : memref<208xf32, #tpu.memory_space<vmem>>)
      tpu.yield
    }) : () -> ()
    %mul3A_34 = arith.constant 208 : i32
    %mul3A_35 = arith.muli %arg1, %mul3A_34 : i32
    %add3A_36 = arith.constant 1999872 : i32
    %add3A_37 = arith.addi %add3A_36, %mul3A_35 : i32
    "tpu.region"() ({
      %run_scoped3A = tpu.sem_alloc : memref<!tpu.dma_semaphore, #tpu.memory_space<semaphore_mem>>
      %dma_start3A_923 = arith.constant 0 : i32
      %dma_start3A_924 = tpu.memref_slice %arg9[%dma_start3A_923] : memref<1024xf32, #tpu.memory_space<vmem>> -> memref<208xf32, #tpu.memory_space<vmem>>
      %dma_start3A_925 = tpu.memref_slice %arg6[%add3A_37] : memref<2003200xf32, #tpu.memory_space<vmem_shared>> -> memref<208xf32, #tpu.memory_space<vmem_shared>>
      %dma_start3A_926 = tpu.memref_slice %arg6[%add3A_37] : memref<2003200xf32, #tpu.memory_space<vmem_shared>> -> memref<208xf32, #tpu.memory_space<vmem_shared>>
      %dma_start3A_927 = arith.constant 0 : i32
      %dma_start3A_928 = tpu.memref_slice %arg9[%dma_start3A_927] : memref<1024xf32, #tpu.memory_space<vmem>> -> memref<208xf32, #tpu.memory_space<vmem>>
      tpu.enqueue_dma source(%dma_start3A_928 : memref<208xf32, #tpu.memory_space<vmem>>) target(%dma_start3A_926 : memref<208xf32, #tpu.memory_space<vmem_shared>>) target_semaphore(%run_scoped3A : memref<!tpu.dma_semaphore, #tpu.memory_space<semaphore_mem>>)
      %dma_wait3A_929 = arith.constant 0 : i32
      %dma_wait3A_930 = tpu.memref_slice %arg9[%dma_wait3A_929] : memref<1024xf32, #tpu.memory_space<vmem>> -> memref<208xf32, #tpu.memory_space<vmem>>
      %dma_wait3A_931 = tpu.memref_slice %arg6[%add3A_37] : memref<2003200xf32, #tpu.memory_space<vmem_shared>> -> memref<208xf32, #tpu.memory_space<vmem_shared>>
      %dma_wait3A_932 = tpu.memref_slice %arg6[%add3A_37] : memref<2003200xf32, #tpu.memory_space<vmem_shared>> -> memref<208xf32, #tpu.memory_space<vmem_shared>>
      %dma_wait3A_933 = arith.constant 0 : i32
      %dma_wait3A_934 = tpu.memref_slice %arg9[%dma_wait3A_933] : memref<1024xf32, #tpu.memory_space<vmem>> -> memref<208xf32, #tpu.memory_space<vmem>>
      tpu.wait_dma2 semaphore(%run_scoped3A : memref<!tpu.dma_semaphore, #tpu.memory_space<semaphore_mem>>) src(%dma_wait3A_934 : memref<208xf32, #tpu.memory_space<vmem>>) dst(%dma_wait3A_932 : memref<208xf32, #tpu.memory_space<vmem_shared>>)
      tpu.yield
    }) : () -> ()
    %add3A_38 = arith.constant 0 : i32
    %add3A_39 = arith.addi %add3A_38, %mul3A_0 : i32
    %dma_wait3A = arith.constant 0 : i32
    %dma_wait3A_40 = tpu.memref_slice %arg6[%add3A_39] : memref<2003200xf32, #tpu.memory_space<vmem_shared>> -> memref<62976xf32, #tpu.memory_space<vmem_shared>>
    %dma_wait3A_41 = arith.constant 0 : i32
    %dma_wait3A_42 = tpu.memref_slice %arg3[%dma_wait3A, %dma_wait3A_41] : memref<26x1000000xf32, #tpu.memory_space<hbm>> -> memref<1x1000000xf32, #tpu.memory_space<hbm>>
    %dma_wait3A_43 = tpu.memref_squeeze %dma_wait3A_42 : memref<1x1000000xf32, #tpu.memory_space<hbm>> -> memref<1000000xf32, #tpu.memory_space<hbm>>
    %dma_wait3A_44 = tpu.memref_slice %dma_wait3A_43[%mul3A_0] : memref<1000000xf32, #tpu.memory_space<hbm>> -> memref<62976xf32, #tpu.memory_space<hbm>>
    tpu.wait_dma2 semaphore(%arg11 : memref<!tpu.dma_semaphore, #tpu.memory_space<semaphore_mem>>) src(%dma_wait3A_44 : memref<62976xf32, #tpu.memory_space<hbm>>) dst(%dma_wait3A_40 : memref<62976xf32, #tpu.memory_space<vmem_shared>>)
    %barrier3A = arith.constant 0 : index
    tpu.barrier barrier_id(%barrier3A)
    %scan3A = arith.constant 0 : i32
    %scan3A_45 = arith.constant 0 : i32
    %scan3A_46 = arith.constant 64 : i32
    %scan3A_47 = arith.addi %scan3A_45, %scan3A_46 : i32
    %scan3A_48 = arith.constant 1 : i32
    scf.for %scan3A_923 = %scan3A_45 to %scan3A_47 step %scan3A_48  : i32 {
      %mul3A_924 = arith.constant 16 : i32
      %mul3A_925 = arith.muli %scan3A_923, %mul3A_924 : i32
      %multiple_of3A = tpu.assume_multiple %mul3A_925, 16 : i32
      %broadcast_in_dim3A = arith.constant 0.000000e+00 : f32
      %broadcast_in_dim3A_926 = vector.broadcast %broadcast_in_dim3A : f32 to vector<16xf32>
      %swap3A = arith.index_cast %multiple_of3A : i32 to index
      %swap3A_927 = tpu.vector_load %arg10[%swap3A] {strides = array<i32>} : memref<1024xf32, #tpu.memory_space<vmem>>, vector<16xf32>,
      %swap3A_928 = vector.shape_cast %swap3A_927 : vector<16xf32> to vector<16xf32>
      %swap3A_929 = vector.shape_cast %broadcast_in_dim3A_926 : vector<16xf32> to vector<16xf32>
      tpu.vector_store %arg10[%swap3A], %swap3A_929 {strides = array<i32>} : memref<1024xf32, #tpu.memory_space<vmem>>, vector<16xf32>,
    }
    %scan3A_49 = arith.constant 64 : i32
    %mul3A_50 = arith.constant 13 : i32
    %mul3A_51 = arith.muli %arg0, %mul3A_50 : i32
    %add3A_52 = arith.constant 1 : i32
    %add3A_53 = arith.addi %mul3A_51, %add3A_52 : i32
    %add3A_54 = arith.constant 999936 : i32
    %add3A_55 = arith.addi %add3A_54, %mul3A_0 : i32
    %dma_start3A_56 = tpu.memref_slice %arg6[%add3A_55] : memref<2003200xf32, #tpu.memory_space<vmem_shared>> -> memref<31488xf32, #tpu.memory_space<vmem_shared>>
    %dma_start3A_57 = arith.constant 0 : i32
    %dma_start3A_58 = tpu.memref_slice %arg3[%add3A_53, %dma_start3A_57] : memref<26x1000000xf32, #tpu.memory_space<hbm>> -> memref<1x1000000xf32, #tpu.memory_space<hbm>>
    %dma_start3A_59 = tpu.memref_squeeze %dma_start3A_58 : memref<1x1000000xf32, #tpu.memory_space<hbm>> -> memref<1000000xf32, #tpu.memory_space<hbm>>
    %dma_start3A_60 = tpu.memref_slice %dma_start3A_59[%mul3A_0] : memref<1000000xf32, #tpu.memory_space<hbm>> -> memref<31488xf32, #tpu.memory_space<hbm>>
    tpu.enqueue_dma source(%dma_start3A_60 : memref<31488xf32, #tpu.memory_space<hbm>>) target(%dma_start3A_56 : memref<31488xf32, #tpu.memory_space<vmem_shared>>) target_semaphore(%arg11 : memref<!tpu.dma_semaphore, #tpu.memory_space<semaphore_mem>>)
    %add3A_61 = arith.constant 31488 : i32
    %add3A_62 = arith.addi %mul3A_0, %add3A_61 : i32
    %add3A_63 = arith.constant 999936 : i32
    %add3A_64 = arith.addi %add3A_63, %mul3A_0 : i32
    %add3A_65 = arith.constant 31488 : i32
    %add3A_66 = arith.addi %add3A_64, %add3A_65 : i32
    %dma_start3A_67 = tpu.memref_slice %arg6[%add3A_66] : memref<2003200xf32, #tpu.memory_space<vmem_shared>> -> memref<31488xf32, #tpu.memory_space<vmem_shared>>
    %dma_start3A_68 = arith.constant 0 : i32
    %dma_start3A_69 = tpu.memref_slice %arg3[%add3A_53, %dma_start3A_68] : memref<26x1000000xf32, #tpu.memory_space<hbm>> -> memref<1x1000000xf32, #tpu.memory_space<hbm>>
    %dma_start3A_70 = tpu.memref_squeeze %dma_start3A_69 : memref<1x1000000xf32, #tpu.memory_space<hbm>> -> memref<1000000xf32, #tpu.memory_space<hbm>>
    %dma_start3A_71 = tpu.memref_slice %dma_start3A_70[%add3A_62] : memref<1000000xf32, #tpu.memory_space<hbm>> -> memref<31488xf32, #tpu.memory_space<hbm>>
    tpu.enqueue_dma source(%dma_start3A_71 : memref<31488xf32, #tpu.memory_space<hbm>>) target(%dma_start3A_67 : memref<31488xf32, #tpu.memory_space<vmem_shared>>) target_semaphore(%arg11 : memref<!tpu.dma_semaphore, #tpu.memory_space<semaphore_mem>>)
    %mul3A_72 = arith.constant 13 : i32
    %mul3A_73 = arith.muli %arg0, %mul3A_72 : i32
    %add3A_74 = arith.constant 1 : i32
    %add3A_75 = arith.addi %mul3A_73, %add3A_74 : i32
    %mul3A_76 = arith.constant 16384 : i32
    %mul3A_77 = arith.muli %add3A_75, %mul3A_76 : i32
    %mul3A_78 = arith.constant 1024 : i32
    %mul3A_79 = arith.muli %arg1, %mul3A_78 : i32
    %add3A_80 = arith.addi %mul3A_77, %mul3A_79 : i32
    %dma_start3A_81 = tpu.memref_slice %arg2[%add3A_80] : memref<425984xi32, #tpu.memory_space<hbm>> -> memref<1024xi32, #tpu.memory_space<hbm>>
    %dma_start3A_82 = tpu.memref_slice %arg2[%add3A_80] : memref<425984xi32, #tpu.memory_space<hbm>> -> memref<1024xi32, #tpu.memory_space<hbm>>
    tpu.enqueue_dma source(%dma_start3A_82 : memref<1024xi32, #tpu.memory_space<hbm>>) target(%arg8 : memref<1024xi32, #tpu.memory_space<vmem>>) target_semaphore(%arg13 : memref<!tpu.dma_semaphore, #tpu.memory_space<semaphore_mem>>)
    %mul3A_83 = arith.constant 13 : i32
    %mul3A_84 = arith.muli %arg0, %mul3A_83 : i32
    %add3A_85 = arith.constant 0 : i32
    %add3A_86 = arith.addi %mul3A_84, %add3A_85 : i32
    %mul3A_87 = arith.constant 1024 : i32
    %mul3A_88 = arith.muli %arg1, %mul3A_87 : i32
    %dma_wait3A_89 = tpu.memref_slice %arg2[%mul3A_88] : memref<425984xi32, #tpu.memory_space<hbm>> -> memref<1024xi32, #tpu.memory_space<hbm>>
    %dma_wait3A_90 = tpu.memref_slice %arg2[%mul3A_88] : memref<425984xi32, #tpu.memory_space<hbm>> -> memref<1024xi32, #tpu.memory_space<hbm>>
    tpu.wait_dma2 semaphore(%arg13 : memref<!tpu.dma_semaphore, #tpu.memory_space<semaphore_mem>>) src(%dma_wait3A_90 : memref<1024xi32, #tpu.memory_space<hbm>>) dst(%arg7 : memref<1024xi32, #tpu.memory_space<vmem>>)
    %mul3A_91 = arith.constant 128 : i32
    %mul3A_92 = arith.muli %add3A_86, %mul3A_91 : i32
    %add3A_93 = arith.constant 1000000 : i32
    %add3A_94 = arith.addi %add3A_93, %mul3A_92 : i32
    %scan3A_95 = arith.constant 0 : i32
    %scan3A_96 = arith.constant 0 : i32
    %scan3A_97 = arith.constant 64 : i32
    %scan3A_98 = arith.addi %scan3A_96, %scan3A_97 : i32
    %scan3A_99 = arith.constant 1 : i32
    scf.for %scan3A_923 = %scan3A_96 to %scan3A_98 step %scan3A_99  : i32 {
      %mul3A_924 = arith.constant 16 : i32
      %mul3A_925 = arith.muli %scan3A_923, %mul3A_924 : i32
      %multiple_of3A = tpu.assume_multiple %mul3A_925, 16 : i32
      %get3A = arith.index_cast %multiple_of3A : i32 to index
      %get3A_926 = tpu.vector_load %arg7[%get3A] {strides = array<i32>} : memref<1024xi32, #tpu.memory_space<vmem>>, vector<16xi32>,
      %get3A_927 = vector.shape_cast %get3A_926 : vector<16xi32> to vector<16xi32>
      %ge3A = arith.constant 999936 : i32
      %ge3A_928 = vector.broadcast %ge3A : i32 to vector<16xi32>
      %ge3A_929 = arith.cmpi sge, %get3A_927, %ge3A_928 : vector<16xi32>
      %jit3A = arith.constant 0 : i32
      %broadcast_in_dim3A = vector.broadcast %add3A_94 : i32 to vector<16xi32>
      %broadcast_in_dim3A_930 = vector.broadcast %jit3A : i32 to vector<16xi32>
      %select_n3A = arith.select %ge3A_929, %broadcast_in_dim3A, %broadcast_in_dim3A_930 : vector<16xi1>, vector<16xi32>
      %add3A_931 = arith.addi %get3A_927, %select_n3A : vector<16xi32>
      %swap3A = arith.index_cast %multiple_of3A : i32 to index
      %swap3A_932 = tpu.vector_load %arg7[%swap3A] {strides = array<i32>} : memref<1024xi32, #tpu.memory_space<vmem>>, vector<16xi32>,
      %swap3A_933 = vector.shape_cast %swap3A_932 : vector<16xi32> to vector<16xi32>
      %swap3A_934 = vector.shape_cast %add3A_931 : vector<16xi32> to vector<16xi32>
      tpu.vector_store %arg7[%swap3A], %swap3A_934 {strides = array<i32>} : memref<1024xi32, #tpu.memory_space<vmem>>, vector<16xi32>,
    }
    %scan3A_100 = arith.constant 64 : i32
    %dma_start3A_101 = arith.constant 0 : i32
    %dma_start3A_102 = tpu.memref_slice %arg6[%dma_start3A_101] : memref<2003200xf32, #tpu.memory_space<vmem_shared>> -> memref<2003200xf32, #tpu.memory_space<vmem_shared>>
    tpu.enqueue_indirect_dma source(%dma_start3A_102 : memref<2003200xf32, #tpu.memory_space<vmem_shared>>) target(%arg9 : memref<1024xf32, #tpu.memory_space<vmem>>) offsets(%arg7 : memref<1024xi32, #tpu.memory_space<vmem>>) semaphore(%arg12 : memref<!tpu.dma_semaphore, #tpu.memory_space<semaphore_mem>>)
    %dma_wait3A_103 = arith.constant 0 : i32
    %dma_wait3A_104 = tpu.memref_slice %arg6[%dma_wait3A_103] : memref<2003200xf32, #tpu.memory_space<vmem_shared>> -> memref<2003200xf32, #tpu.memory_space<vmem_shared>>
    tpu.wait_indirect_dma semaphore(%arg12 : memref<!tpu.dma_semaphore, #tpu.memory_space<semaphore_mem>>) src(%dma_wait3A_104 : memref<2003200xf32, #tpu.memory_space<vmem_shared>>) dst(%arg9 : memref<1024xf32, #tpu.memory_space<vmem>>)
    %scan3A_105 = arith.constant 0 : i32
    %scan3A_106 = arith.constant 0 : i32
    %scan3A_107 = arith.constant 64 : i32
    %scan3A_108 = arith.addi %scan3A_106, %scan3A_107 : i32
    %scan3A_109 = arith.constant 1 : i32
    scf.for %scan3A_923 = %scan3A_106 to %scan3A_108 step %scan3A_109  : i32 {
      %mul3A_924 = arith.constant 16 : i32
      %mul3A_925 = arith.muli %scan3A_923, %mul3A_924 : i32
      %multiple_of3A = tpu.assume_multiple %mul3A_925, 16 : i32
      %get3A = arith.index_cast %multiple_of3A : i32 to index
      %get3A_926 = tpu.vector_load %arg10[%get3A] {strides = array<i32>} : memref<1024xf32, #tpu.memory_space<vmem>>, vector<16xf32>,
      %get3A_927 = vector.shape_cast %get3A_926 : vector<16xf32> to vector<16xf32>
      %get3A_928 = arith.index_cast %multiple_of3A : i32 to index
      %get3A_929 = tpu.vector_load %arg9[%get3A_928] {strides = array<i32>} : memref<1024xf32, #tpu.memory_space<vmem>>, vector<16xf32>,
      %get3A_930 = vector.shape_cast %get3A_929 : vector<16xf32> to vector<16xf32>
      %add3A_931 = arith.addf %get3A_927, %get3A_930 : vector<16xf32>
      %swap3A = arith.index_cast %multiple_of3A : i32 to index
      %swap3A_932 = tpu.vector_load %arg10[%swap3A] {strides = array<i32>} : memref<1024xf32, #tpu.memory_space<vmem>>, vector<16xf32>,
      %swap3A_933 = vector.shape_cast %swap3A_932 : vector<16xf32> to vector<16xf32>
      %swap3A_934 = vector.shape_cast %add3A_931 : vector<16xf32> to vector<16xf32>
      tpu.vector_store %arg10[%swap3A], %swap3A_934 {strides = array<i32>} : memref<1024xf32, #tpu.memory_space<vmem>>, vector<16xf32>,
    }
    %scan3A_110 = arith.constant 64 : i32
    %add3A_111 = arith.constant 999936 : i32
    %add3A_112 = arith.addi %add3A_111, %mul3A_0 : i32
    %dma_wait3A_113 = arith.constant 0 : i32
    %dma_wait3A_114 = tpu.memref_slice %arg6[%add3A_112] : memref<2003200xf32, #tpu.memory_space<vmem_shared>> -> memref<62976xf32, #tpu.memory_space<vmem_shared>>
    %dma_wait3A_115 = arith.constant 0 : i32
    %dma_wait3A_116 = tpu.memref_slice %arg3[%dma_wait3A_113, %dma_wait3A_115] : memref<26x1000000xf32, #tpu.memory_space<hbm>> -> memref<1x1000000xf32, #tpu.memory_space<hbm>>
    %dma_wait3A_117 = tpu.memref_squeeze %dma_wait3A_116 : memref<1x1000000xf32, #tpu.memory_space<hbm>> -> memref<1000000xf32, #tpu.memory_space<hbm>>
    %dma_wait3A_118 = tpu.memref_slice %dma_wait3A_117[%mul3A_0] : memref<1000000xf32, #tpu.memory_space<hbm>> -> memref<62976xf32, #tpu.memory_space<hbm>>
    tpu.wait_dma2 semaphore(%arg11 : memref<!tpu.dma_semaphore, #tpu.memory_space<semaphore_mem>>) src(%dma_wait3A_118 : memref<62976xf32, #tpu.memory_space<hbm>>) dst(%dma_wait3A_114 : memref<62976xf32, #tpu.memory_space<vmem_shared>>)
    %barrier3A_119 = arith.constant 0 : index
    tpu.barrier barrier_id(%barrier3A_119)
    %mul3A_120 = arith.constant 13 : i32
    %mul3A_121 = arith.muli %arg0, %mul3A_120 : i32
    %add3A_122 = arith.constant 2 : i32
    %add3A_123 = arith.addi %mul3A_121, %add3A_122 : i32
    %add3A_124 = arith.constant 0 : i32
    %add3A_125 = arith.addi %add3A_124, %mul3A_0 : i32
    %dma_start3A_126 = tpu.memref_slice %arg6[%add3A_125] : memref<2003200xf32, #tpu.memory_space<vmem_shared>> -> memref<31488xf32, #tpu.memory_space<vmem_shared>>
    %dma_start3A_127 = arith.constant 0 : i32
    %dma_start3A_128 = tpu.memref_slice %arg3[%add3A_123, %dma_start3A_127] : memref<26x1000000xf32, #tpu.memory_space<hbm>> -> memref<1x1000000xf32, #tpu.memory_space<hbm>>
    %dma_start3A_129 = tpu.memref_squeeze %dma_start3A_128 : memref<1x1000000xf32, #tpu.memory_space<hbm>> -> memref<1000000xf32, #tpu.memory_space<hbm>>
    %dma_start3A_130 = tpu.memref_slice %dma_start3A_129[%mul3A_0] : memref<1000000xf32, #tpu.memory_space<hbm>> -> memref<31488xf32, #tpu.memory_space<hbm>>
    tpu.enqueue_dma source(%dma_start3A_130 : memref<31488xf32, #tpu.memory_space<hbm>>) target(%dma_start3A_126 : memref<31488xf32, #tpu.memory_space<vmem_shared>>) target_semaphore(%arg11 : memref<!tpu.dma_semaphore, #tpu.memory_space<semaphore_mem>>)
    %add3A_131 = arith.constant 31488 : i32
    %add3A_132 = arith.addi %mul3A_0, %add3A_131 : i32
    %add3A_133 = arith.constant 0 : i32
    %add3A_134 = arith.addi %add3A_133, %mul3A_0 : i32
    %add3A_135 = arith.constant 31488 : i32
    %add3A_136 = arith.addi %add3A_134, %add3A_135 : i32
    %dma_start3A_137 = tpu.memref_slice %arg6[%add3A_136] : memref<2003200xf32, #tpu.memory_space<vmem_shared>> -> memref<31488xf32, #tpu.memory_space<vmem_shared>>
    %dma_start3A_138 = arith.constant 0 : i32
    %dma_start3A_139 = tpu.memref_slice %arg3[%add3A_123, %dma_start3A_138] : memref<26x1000000xf32, #tpu.memory_space<hbm>> -> memref<1x1000000xf32, #tpu.memory_space<hbm>>
    %dma_start3A_140 = tpu.memref_squeeze %dma_start3A_139 : memref<1x1000000xf32, #tpu.memory_space<hbm>> -> memref<1000000xf32, #tpu.memory_space<hbm>>
    %dma_start3A_141 = tpu.memref_slice %dma_start3A_140[%add3A_132] : memref<1000000xf32, #tpu.memory_space<hbm>> -> memref<31488xf32, #tpu.memory_space<hbm>>
    tpu.enqueue_dma source(%dma_start3A_141 : memref<31488xf32, #tpu.memory_space<hbm>>) target(%dma_start3A_137 : memref<31488xf32, #tpu.memory_space<vmem_shared>>) target_semaphore(%arg11 : memref<!tpu.dma_semaphore, #tpu.memory_space<semaphore_mem>>)
    %mul3A_142 = arith.constant 13 : i32
    %mul3A_143 = arith.muli %arg0, %mul3A_142 : i32
    %add3A_144 = arith.constant 2 : i32
    %add3A_145 = arith.addi %mul3A_143, %add3A_144 : i32
    %mul3A_146 = arith.constant 16384 : i32
    %mul3A_147 = arith.muli %add3A_145, %mul3A_146 : i32
    %mul3A_148 = arith.constant 1024 : i32
    %mul3A_149 = arith.muli %arg1, %mul3A_148 : i32
    %add3A_150 = arith.addi %mul3A_147, %mul3A_149 : i32
    %dma_start3A_151 = tpu.memref_slice %arg2[%add3A_150] : memref<425984xi32, #tpu.memory_space<hbm>> -> memref<1024xi32, #tpu.memory_space<hbm>>
    %dma_start3A_152 = tpu.memref_slice %arg2[%add3A_150] : memref<425984xi32, #tpu.memory_space<hbm>> -> memref<1024xi32, #tpu.memory_space<hbm>>
    tpu.enqueue_dma source(%dma_start3A_152 : memref<1024xi32, #tpu.memory_space<hbm>>) target(%arg7 : memref<1024xi32, #tpu.memory_space<vmem>>) target_semaphore(%arg13 : memref<!tpu.dma_semaphore, #tpu.memory_space<semaphore_mem>>)
    %mul3A_153 = arith.constant 13 : i32
    %mul3A_154 = arith.muli %arg0, %mul3A_153 : i32
    %add3A_155 = arith.constant 1 : i32
    %add3A_156 = arith.addi %mul3A_154, %add3A_155 : i32
    %mul3A_157 = arith.constant 1024 : i32
    %mul3A_158 = arith.muli %arg1, %mul3A_157 : i32
    %dma_wait3A_159 = tpu.memref_slice %arg2[%mul3A_158] : memref<425984xi32, #tpu.memory_space<hbm>> -> memref<1024xi32, #tpu.memory_space<hbm>>
    %dma_wait3A_160 = tpu.memref_slice %arg2[%mul3A_158] : memref<425984xi32, #tpu.memory_space<hbm>> -> memref<1024xi32, #tpu.memory_space<hbm>>
    tpu.wait_dma2 semaphore(%arg13 : memref<!tpu.dma_semaphore, #tpu.memory_space<semaphore_mem>>) src(%dma_wait3A_160 : memref<1024xi32, #tpu.memory_space<hbm>>) dst(%arg8 : memref<1024xi32, #tpu.memory_space<vmem>>)
    %mul3A_161 = arith.constant 128 : i32
    %mul3A_162 = arith.muli %add3A_156, %mul3A_161 : i32
    %add3A_163 = arith.constant 1000000 : i32
    %add3A_164 = arith.addi %add3A_163, %mul3A_162 : i32
    %scan3A_165 = arith.constant 0 : i32
    %scan3A_166 = arith.constant 0 : i32
    %scan3A_167 = arith.constant 64 : i32
    %scan3A_168 = arith.addi %scan3A_166, %scan3A_167 : i32
    %scan3A_169 = arith.constant 1 : i32
    scf.for %scan3A_923 = %scan3A_166 to %scan3A_168 step %scan3A_169  : i32 {
      %mul3A_924 = arith.constant 16 : i32
      %mul3A_925 = arith.muli %scan3A_923, %mul3A_924 : i32
      %multiple_of3A = tpu.assume_multiple %mul3A_925, 16 : i32
      %get3A = arith.index_cast %multiple_of3A : i32 to index
      %get3A_926 = tpu.vector_load %arg8[%get3A] {strides = array<i32>} : memref<1024xi32, #tpu.memory_space<vmem>>, vector<16xi32>,
      %get3A_927 = vector.shape_cast %get3A_926 : vector<16xi32> to vector<16xi32>
      %ge3A = arith.constant 999936 : i32
      %ge3A_928 = vector.broadcast %ge3A : i32 to vector<16xi32>
      %ge3A_929 = arith.cmpi sge, %get3A_927, %ge3A_928 : vector<16xi32>
      %jit3A = arith.constant 999936 : i32
      %broadcast_in_dim3A = vector.broadcast %add3A_164 : i32 to vector<16xi32>
      %broadcast_in_dim3A_930 = vector.broadcast %jit3A : i32 to vector<16xi32>
      %select_n3A = arith.select %ge3A_929, %broadcast_in_dim3A, %broadcast_in_dim3A_930 : vector<16xi1>, vector<16xi32>
      %add3A_931 = arith.addi %get3A_927, %select_n3A : vector<16xi32>
      %swap3A = arith.index_cast %multiple_of3A : i32 to index
      %swap3A_932 = tpu.vector_load %arg8[%swap3A] {strides = array<i32>} : memref<1024xi32, #tpu.memory_space<vmem>>, vector<16xi32>,
      %swap3A_933 = vector.shape_cast %swap3A_932 : vector<16xi32> to vector<16xi32>
      %swap3A_934 = vector.shape_cast %add3A_931 : vector<16xi32> to vector<16xi32>
      tpu.vector_store %arg8[%swap3A], %swap3A_934 {strides = array<i32>} : memref<1024xi32, #tpu.memory_space<vmem>>, vector<16xi32>,
    }
    %scan3A_170 = arith.constant 64 : i32
    %dma_start3A_171 = arith.constant 0 : i32
    %dma_start3A_172 = tpu.memref_slice %arg6[%dma_start3A_171] : memref<2003200xf32, #tpu.memory_space<vmem_shared>> -> memref<2003200xf32, #tpu.memory_space<vmem_shared>>
    tpu.enqueue_indirect_dma source(%dma_start3A_172 : memref<2003200xf32, #tpu.memory_space<vmem_shared>>) target(%arg9 : memref<1024xf32, #tpu.memory_space<vmem>>) offsets(%arg8 : memref<1024xi32, #tpu.memory_space<vmem>>) semaphore(%arg12 : memref<!tpu.dma_semaphore, #tpu.memory_space<semaphore_mem>>)
    %dma_wait3A_173 = arith.constant 0 : i32
    %dma_wait3A_174 = tpu.memref_slice %arg6[%dma_wait3A_173] : memref<2003200xf32, #tpu.memory_space<vmem_shared>> -> memref<2003200xf32, #tpu.memory_space<vmem_shared>>
    tpu.wait_indirect_dma semaphore(%arg12 : memref<!tpu.dma_semaphore, #tpu.memory_space<semaphore_mem>>) src(%dma_wait3A_174 : memref<2003200xf32, #tpu.memory_space<vmem_shared>>) dst(%arg9 : memref<1024xf32, #tpu.memory_space<vmem>>)
    %scan3A_175 = arith.constant 0 : i32
    %scan3A_176 = arith.constant 0 : i32
    %scan3A_177 = arith.constant 64 : i32
    %scan3A_178 = arith.addi %scan3A_176, %scan3A_177 : i32
    %scan3A_179 = arith.constant 1 : i32
    scf.for %scan3A_923 = %scan3A_176 to %scan3A_178 step %scan3A_179  : i32 {
      %mul3A_924 = arith.constant 16 : i32
      %mul3A_925 = arith.muli %scan3A_923, %mul3A_924 : i32
      %multiple_of3A = tpu.assume_multiple %mul3A_925, 16 : i32
      %get3A = arith.index_cast %multiple_of3A : i32 to index
      %get3A_926 = tpu.vector_load %arg10[%get3A] {strides = array<i32>} : memref<1024xf32, #tpu.memory_space<vmem>>, vector<16xf32>,
      %get3A_927 = vector.shape_cast %get3A_926 : vector<16xf32> to vector<16xf32>
      %get3A_928 = arith.index_cast %multiple_of3A : i32 to index
      %get3A_929 = tpu.vector_load %arg9[%get3A_928] {strides = array<i32>} : memref<1024xf32, #tpu.memory_space<vmem>>, vector<16xf32>,
      %get3A_930 = vector.shape_cast %get3A_929 : vector<16xf32> to vector<16xf32>
      %add3A_931 = arith.addf %get3A_927, %get3A_930 : vector<16xf32>
      %swap3A = arith.index_cast %multiple_of3A : i32 to index
      %swap3A_932 = tpu.vector_load %arg10[%swap3A] {strides = array<i32>} : memref<1024xf32, #tpu.memory_space<vmem>>, vector<16xf32>,
      %swap3A_933 = vector.shape_cast %swap3A_932 : vector<16xf32> to vector<16xf32>
      %swap3A_934 = vector.shape_cast %add3A_931 : vector<16xf32> to vector<16xf32>
      tpu.vector_store %arg10[%swap3A], %swap3A_934 {strides = array<i32>} : memref<1024xf32, #tpu.memory_space<vmem>>, vector<16xf32>,
    }
    %scan3A_180 = arith.constant 64 : i32
    %add3A_181 = arith.constant 0 : i32
    %add3A_182 = arith.addi %add3A_181, %mul3A_0 : i32
    %dma_wait3A_183 = arith.constant 0 : i32
    %dma_wait3A_184 = tpu.memref_slice %arg6[%add3A_182] : memref<2003200xf32, #tpu.memory_space<vmem_shared>> -> memref<62976xf32, #tpu.memory_space<vmem_shared>>
    %dma_wait3A_185 = arith.constant 0 : i32
    %dma_wait3A_186 = tpu.memref_slice %arg3[%dma_wait3A_183, %dma_wait3A_185] : memref<26x1000000xf32, #tpu.memory_space<hbm>> -> memref<1x1000000xf32, #tpu.memory_space<hbm>>
    %dma_wait3A_187 = tpu.memref_squeeze %dma_wait3A_186 : memref<1x1000000xf32, #tpu.memory_space<hbm>> -> memref<1000000xf32, #tpu.memory_space<hbm>>
    %dma_wait3A_188 = tpu.memref_slice %dma_wait3A_187[%mul3A_0] : memref<1000000xf32, #tpu.memory_space<hbm>> -> memref<62976xf32, #tpu.memory_space<hbm>>
    tpu.wait_dma2 semaphore(%arg11 : memref<!tpu.dma_semaphore, #tpu.memory_space<semaphore_mem>>) src(%dma_wait3A_188 : memref<62976xf32, #tpu.memory_space<hbm>>) dst(%dma_wait3A_184 : memref<62976xf32, #tpu.memory_space<vmem_shared>>)
    %barrier3A_189 = arith.constant 0 : index
    tpu.barrier barrier_id(%barrier3A_189)
    %mul3A_190 = arith.constant 13 : i32
    %mul3A_191 = arith.muli %arg0, %mul3A_190 : i32
    %add3A_192 = arith.constant 3 : i32
    %add3A_193 = arith.addi %mul3A_191, %add3A_192 : i32
    %add3A_194 = arith.constant 999936 : i32
    %add3A_195 = arith.addi %add3A_194, %mul3A_0 : i32
    %dma_start3A_196 = tpu.memref_slice %arg6[%add3A_195] : memref<2003200xf32, #tpu.memory_space<vmem_shared>> -> memref<31488xf32, #tpu.memory_space<vmem_shared>>
    %dma_start3A_197 = arith.constant 0 : i32
    %dma_start3A_198 = tpu.memref_slice %arg3[%add3A_193, %dma_start3A_197] : memref<26x1000000xf32, #tpu.memory_space<hbm>> -> memref<1x1000000xf32, #tpu.memory_space<hbm>>
    %dma_start3A_199 = tpu.memref_squeeze %dma_start3A_198 : memref<1x1000000xf32, #tpu.memory_space<hbm>> -> memref<1000000xf32, #tpu.memory_space<hbm>>
    %dma_start3A_200 = tpu.memref_slice %dma_start3A_199[%mul3A_0] : memref<1000000xf32, #tpu.memory_space<hbm>> -> memref<31488xf32, #tpu.memory_space<hbm>>
    tpu.enqueue_dma source(%dma_start3A_200 : memref<31488xf32, #tpu.memory_space<hbm>>) target(%dma_start3A_196 : memref<31488xf32, #tpu.memory_space<vmem_shared>>) target_semaphore(%arg11 : memref<!tpu.dma_semaphore, #tpu.memory_space<semaphore_mem>>)
    %add3A_201 = arith.constant 31488 : i32
    %add3A_202 = arith.addi %mul3A_0, %add3A_201 : i32
    %add3A_203 = arith.constant 999936 : i32
    %add3A_204 = arith.addi %add3A_203, %mul3A_0 : i32
    %add3A_205 = arith.constant 31488 : i32
    %add3A_206 = arith.addi %add3A_204, %add3A_205 : i32
    %dma_start3A_207 = tpu.memref_slice %arg6[%add3A_206] : memref<2003200xf32, #tpu.memory_space<vmem_shared>> -> memref<31488xf32, #tpu.memory_space<vmem_shared>>
    %dma_start3A_208 = arith.constant 0 : i32
    %dma_start3A_209 = tpu.memref_slice %arg3[%add3A_193, %dma_start3A_208] : memref<26x1000000xf32, #tpu.memory_space<hbm>> -> memref<1x1000000xf32, #tpu.memory_space<hbm>>
    %dma_start3A_210 = tpu.memref_squeeze %dma_start3A_209 : memref<1x1000000xf32, #tpu.memory_space<hbm>> -> memref<1000000xf32, #tpu.memory_space<hbm>>
    %dma_start3A_211 = tpu.memref_slice %dma_start3A_210[%add3A_202] : memref<1000000xf32, #tpu.memory_space<hbm>> -> memref<31488xf32, #tpu.memory_space<hbm>>
    tpu.enqueue_dma source(%dma_start3A_211 : memref<31488xf32, #tpu.memory_space<hbm>>) target(%dma_start3A_207 : memref<31488xf32, #tpu.memory_space<vmem_shared>>) target_semaphore(%arg11 : memref<!tpu.dma_semaphore, #tpu.memory_space<semaphore_mem>>)
    %mul3A_212 = arith.constant 13 : i32
    %mul3A_213 = arith.muli %arg0, %mul3A_212 : i32
    %add3A_214 = arith.constant 3 : i32
    %add3A_215 = arith.addi %mul3A_213, %add3A_214 : i32
    %mul3A_216 = arith.constant 16384 : i32
    %mul3A_217 = arith.muli %add3A_215, %mul3A_216 : i32
    %mul3A_218 = arith.constant 1024 : i32
    %mul3A_219 = arith.muli %arg1, %mul3A_218 : i32
    %add3A_220 = arith.addi %mul3A_217, %mul3A_219 : i32
    %dma_start3A_221 = tpu.memref_slice %arg2[%add3A_220] : memref<425984xi32, #tpu.memory_space<hbm>> -> memref<1024xi32, #tpu.memory_space<hbm>>
    %dma_start3A_222 = tpu.memref_slice %arg2[%add3A_220] : memref<425984xi32, #tpu.memory_space<hbm>> -> memref<1024xi32, #tpu.memory_space<hbm>>
    tpu.enqueue_dma source(%dma_start3A_222 : memref<1024xi32, #tpu.memory_space<hbm>>) target(%arg8 : memref<1024xi32, #tpu.memory_space<vmem>>) target_semaphore(%arg13 : memref<!tpu.dma_semaphore, #tpu.memory_space<semaphore_mem>>)
    %mul3A_223 = arith.constant 13 : i32
    %mul3A_224 = arith.muli %arg0, %mul3A_223 : i32
    %add3A_225 = arith.constant 2 : i32
    %add3A_226 = arith.addi %mul3A_224, %add3A_225 : i32
    %mul3A_227 = arith.constant 1024 : i32
    %mul3A_228 = arith.muli %arg1, %mul3A_227 : i32
    %dma_wait3A_229 = tpu.memref_slice %arg2[%mul3A_228] : memref<425984xi32, #tpu.memory_space<hbm>> -> memref<1024xi32, #tpu.memory_space<hbm>>
    %dma_wait3A_230 = tpu.memref_slice %arg2[%mul3A_228] : memref<425984xi32, #tpu.memory_space<hbm>> -> memref<1024xi32, #tpu.memory_space<hbm>>
    tpu.wait_dma2 semaphore(%arg13 : memref<!tpu.dma_semaphore, #tpu.memory_space<semaphore_mem>>) src(%dma_wait3A_230 : memref<1024xi32, #tpu.memory_space<hbm>>) dst(%arg7 : memref<1024xi32, #tpu.memory_space<vmem>>)
    %mul3A_231 = arith.constant 128 : i32
    %mul3A_232 = arith.muli %add3A_226, %mul3A_231 : i32
    %add3A_233 = arith.constant 1000000 : i32
    %add3A_234 = arith.addi %add3A_233, %mul3A_232 : i32
    %scan3A_235 = arith.constant 0 : i32
    %scan3A_236 = arith.constant 0 : i32
    %scan3A_237 = arith.constant 64 : i32
    %scan3A_238 = arith.addi %scan3A_236, %scan3A_237 : i32
    %scan3A_239 = arith.constant 1 : i32
    scf.for %scan3A_923 = %scan3A_236 to %scan3A_238 step %scan3A_239  : i32 {
      %mul3A_924 = arith.constant 16 : i32
      %mul3A_925 = arith.muli %scan3A_923, %mul3A_924 : i32
      %multiple_of3A = tpu.assume_multiple %mul3A_925, 16 : i32
      %get3A = arith.index_cast %multiple_of3A : i32 to index
      %get3A_926 = tpu.vector_load %arg7[%get3A] {strides = array<i32>} : memref<1024xi32, #tpu.memory_space<vmem>>, vector<16xi32>,
      %get3A_927 = vector.shape_cast %get3A_926 : vector<16xi32> to vector<16xi32>
      %ge3A = arith.constant 999936 : i32
      %ge3A_928 = vector.broadcast %ge3A : i32 to vector<16xi32>
      %ge3A_929 = arith.cmpi sge, %get3A_927, %ge3A_928 : vector<16xi32>
      %jit3A = arith.constant 0 : i32
      %broadcast_in_dim3A = vector.broadcast %add3A_234 : i32 to vector<16xi32>
      %broadcast_in_dim3A_930 = vector.broadcast %jit3A : i32 to vector<16xi32>
      %select_n3A = arith.select %ge3A_929, %broadcast_in_dim3A, %broadcast_in_dim3A_930 : vector<16xi1>, vector<16xi32>
      %add3A_931 = arith.addi %get3A_927, %select_n3A : vector<16xi32>
      %swap3A = arith.index_cast %multiple_of3A : i32 to index
      %swap3A_932 = tpu.vector_load %arg7[%swap3A] {strides = array<i32>} : memref<1024xi32, #tpu.memory_space<vmem>>, vector<16xi32>,
      %swap3A_933 = vector.shape_cast %swap3A_932 : vector<16xi32> to vector<16xi32>
      %swap3A_934 = vector.shape_cast %add3A_931 : vector<16xi32> to vector<16xi32>
      tpu.vector_store %arg7[%swap3A], %swap3A_934 {strides = array<i32>} : memref<1024xi32, #tpu.memory_space<vmem>>, vector<16xi32>,
    }
    %scan3A_240 = arith.constant 64 : i32
    %dma_start3A_241 = arith.constant 0 : i32
    %dma_start3A_242 = tpu.memref_slice %arg6[%dma_start3A_241] : memref<2003200xf32, #tpu.memory_space<vmem_shared>> -> memref<2003200xf32, #tpu.memory_space<vmem_shared>>
    tpu.enqueue_indirect_dma source(%dma_start3A_242 : memref<2003200xf32, #tpu.memory_space<vmem_shared>>) target(%arg9 : memref<1024xf32, #tpu.memory_space<vmem>>) offsets(%arg7 : memref<1024xi32, #tpu.memory_space<vmem>>) semaphore(%arg12 : memref<!tpu.dma_semaphore, #tpu.memory_space<semaphore_mem>>)
    %dma_wait3A_243 = arith.constant 0 : i32
    %dma_wait3A_244 = tpu.memref_slice %arg6[%dma_wait3A_243] : memref<2003200xf32, #tpu.memory_space<vmem_shared>> -> memref<2003200xf32, #tpu.memory_space<vmem_shared>>
    tpu.wait_indirect_dma semaphore(%arg12 : memref<!tpu.dma_semaphore, #tpu.memory_space<semaphore_mem>>) src(%dma_wait3A_244 : memref<2003200xf32, #tpu.memory_space<vmem_shared>>) dst(%arg9 : memref<1024xf32, #tpu.memory_space<vmem>>)
    %scan3A_245 = arith.constant 0 : i32
    %scan3A_246 = arith.constant 0 : i32
    %scan3A_247 = arith.constant 64 : i32
    %scan3A_248 = arith.addi %scan3A_246, %scan3A_247 : i32
    %scan3A_249 = arith.constant 1 : i32
    scf.for %scan3A_923 = %scan3A_246 to %scan3A_248 step %scan3A_249  : i32 {
      %mul3A_924 = arith.constant 16 : i32
      %mul3A_925 = arith.muli %scan3A_923, %mul3A_924 : i32
      %multiple_of3A = tpu.assume_multiple %mul3A_925, 16 : i32
      %get3A = arith.index_cast %multiple_of3A : i32 to index
      %get3A_926 = tpu.vector_load %arg10[%get3A] {strides = array<i32>} : memref<1024xf32, #tpu.memory_space<vmem>>, vector<16xf32>,
      %get3A_927 = vector.shape_cast %get3A_926 : vector<16xf32> to vector<16xf32>
      %get3A_928 = arith.index_cast %multiple_of3A : i32 to index
      %get3A_929 = tpu.vector_load %arg9[%get3A_928] {strides = array<i32>} : memref<1024xf32, #tpu.memory_space<vmem>>, vector<16xf32>,
      %get3A_930 = vector.shape_cast %get3A_929 : vector<16xf32> to vector<16xf32>
      %add3A_931 = arith.addf %get3A_927, %get3A_930 : vector<16xf32>
      %swap3A = arith.index_cast %multiple_of3A : i32 to index
      %swap3A_932 = tpu.vector_load %arg10[%swap3A] {strides = array<i32>} : memref<1024xf32, #tpu.memory_space<vmem>>, vector<16xf32>,
      %swap3A_933 = vector.shape_cast %swap3A_932 : vector<16xf32> to vector<16xf32>
      %swap3A_934 = vector.shape_cast %add3A_931 : vector<16xf32> to vector<16xf32>
      tpu.vector_store %arg10[%swap3A], %swap3A_934 {strides = array<i32>} : memref<1024xf32, #tpu.memory_space<vmem>>, vector<16xf32>,
    }
    %scan3A_250 = arith.constant 64 : i32
    %add3A_251 = arith.constant 999936 : i32
    %add3A_252 = arith.addi %add3A_251, %mul3A_0 : i32
    %dma_wait3A_253 = arith.constant 0 : i32
    %dma_wait3A_254 = tpu.memref_slice %arg6[%add3A_252] : memref<2003200xf32, #tpu.memory_space<vmem_shared>> -> memref<62976xf32, #tpu.memory_space<vmem_shared>>
    %dma_wait3A_255 = arith.constant 0 : i32
    %dma_wait3A_256 = tpu.memref_slice %arg3[%dma_wait3A_253, %dma_wait3A_255] : memref<26x1000000xf32, #tpu.memory_space<hbm>> -> memref<1x1000000xf32, #tpu.memory_space<hbm>>
    %dma_wait3A_257 = tpu.memref_squeeze %dma_wait3A_256 : memref<1x1000000xf32, #tpu.memory_space<hbm>> -> memref<1000000xf32, #tpu.memory_space<hbm>>
    %dma_wait3A_258 = tpu.memref_slice %dma_wait3A_257[%mul3A_0] : memref<1000000xf32, #tpu.memory_space<hbm>> -> memref<62976xf32, #tpu.memory_space<hbm>>
    tpu.wait_dma2 semaphore(%arg11 : memref<!tpu.dma_semaphore, #tpu.memory_space<semaphore_mem>>) src(%dma_wait3A_258 : memref<62976xf32, #tpu.memory_space<hbm>>) dst(%dma_wait3A_254 : memref<62976xf32, #tpu.memory_space<vmem_shared>>)
    %barrier3A_259 = arith.constant 0 : index
    tpu.barrier barrier_id(%barrier3A_259)
    %mul3A_260 = arith.constant 13 : i32
    %mul3A_261 = arith.muli %arg0, %mul3A_260 : i32
    %add3A_262 = arith.constant 4 : i32
    %add3A_263 = arith.addi %mul3A_261, %add3A_262 : i32
    %add3A_264 = arith.constant 0 : i32
    %add3A_265 = arith.addi %add3A_264, %mul3A_0 : i32
    %dma_start3A_266 = tpu.memref_slice %arg6[%add3A_265] : memref<2003200xf32, #tpu.memory_space<vmem_shared>> -> memref<31488xf32, #tpu.memory_space<vmem_shared>>
    %dma_start3A_267 = arith.constant 0 : i32
    %dma_start3A_268 = tpu.memref_slice %arg3[%add3A_263, %dma_start3A_267] : memref<26x1000000xf32, #tpu.memory_space<hbm>> -> memref<1x1000000xf32, #tpu.memory_space<hbm>>
    %dma_start3A_269 = tpu.memref_squeeze %dma_start3A_268 : memref<1x1000000xf32, #tpu.memory_space<hbm>> -> memref<1000000xf32, #tpu.memory_space<hbm>>
    %dma_start3A_270 = tpu.memref_slice %dma_start3A_269[%mul3A_0] : memref<1000000xf32, #tpu.memory_space<hbm>> -> memref<31488xf32, #tpu.memory_space<hbm>>
    tpu.enqueue_dma source(%dma_start3A_270 : memref<31488xf32, #tpu.memory_space<hbm>>) target(%dma_start3A_266 : memref<31488xf32, #tpu.memory_space<vmem_shared>>) target_semaphore(%arg11 : memref<!tpu.dma_semaphore, #tpu.memory_space<semaphore_mem>>)
    %add3A_271 = arith.constant 31488 : i32
    %add3A_272 = arith.addi %mul3A_0, %add3A_271 : i32
    %add3A_273 = arith.constant 0 : i32
    %add3A_274 = arith.addi %add3A_273, %mul3A_0 : i32
    %add3A_275 = arith.constant 31488 : i32
    %add3A_276 = arith.addi %add3A_274, %add3A_275 : i32
    %dma_start3A_277 = tpu.memref_slice %arg6[%add3A_276] : memref<2003200xf32, #tpu.memory_space<vmem_shared>> -> memref<31488xf32, #tpu.memory_space<vmem_shared>>
    %dma_start3A_278 = arith.constant 0 : i32
    %dma_start3A_279 = tpu.memref_slice %arg3[%add3A_263, %dma_start3A_278] : memref<26x1000000xf32, #tpu.memory_space<hbm>> -> memref<1x1000000xf32, #tpu.memory_space<hbm>>
    %dma_start3A_280 = tpu.memref_squeeze %dma_start3A_279 : memref<1x1000000xf32, #tpu.memory_space<hbm>> -> memref<1000000xf32, #tpu.memory_space<hbm>>
    %dma_start3A_281 = tpu.memref_slice %dma_start3A_280[%add3A_272] : memref<1000000xf32, #tpu.memory_space<hbm>> -> memref<31488xf32, #tpu.memory_space<hbm>>
    tpu.enqueue_dma source(%dma_start3A_281 : memref<31488xf32, #tpu.memory_space<hbm>>) target(%dma_start3A_277 : memref<31488xf32, #tpu.memory_space<vmem_shared>>) target_semaphore(%arg11 : memref<!tpu.dma_semaphore, #tpu.memory_space<semaphore_mem>>)
    %mul3A_282 = arith.constant 13 : i32
    %mul3A_283 = arith.muli %arg0, %mul3A_282 : i32
    %add3A_284 = arith.constant 4 : i32
    %add3A_285 = arith.addi %mul3A_283, %add3A_284 : i32
    %mul3A_286 = arith.constant 16384 : i32
    %mul3A_287 = arith.muli %add3A_285, %mul3A_286 : i32
    %mul3A_288 = arith.constant 1024 : i32
    %mul3A_289 = arith.muli %arg1, %mul3A_288 : i32
    %add3A_290 = arith.addi %mul3A_287, %mul3A_289 : i32
    %dma_start3A_291 = tpu.memref_slice %arg2[%add3A_290] : memref<425984xi32, #tpu.memory_space<hbm>> -> memref<1024xi32, #tpu.memory_space<hbm>>
    %dma_start3A_292 = tpu.memref_slice %arg2[%add3A_290] : memref<425984xi32, #tpu.memory_space<hbm>> -> memref<1024xi32, #tpu.memory_space<hbm>>
    tpu.enqueue_dma source(%dma_start3A_292 : memref<1024xi32, #tpu.memory_space<hbm>>) target(%arg7 : memref<1024xi32, #tpu.memory_space<vmem>>) target_semaphore(%arg13 : memref<!tpu.dma_semaphore, #tpu.memory_space<semaphore_mem>>)
    %mul3A_293 = arith.constant 13 : i32
    %mul3A_294 = arith.muli %arg0, %mul3A_293 : i32
    %add3A_295 = arith.constant 3 : i32
    %add3A_296 = arith.addi %mul3A_294, %add3A_295 : i32
    %mul3A_297 = arith.constant 1024 : i32
    %mul3A_298 = arith.muli %arg1, %mul3A_297 : i32
    %dma_wait3A_299 = tpu.memref_slice %arg2[%mul3A_298] : memref<425984xi32, #tpu.memory_space<hbm>> -> memref<1024xi32, #tpu.memory_space<hbm>>
    %dma_wait3A_300 = tpu.memref_slice %arg2[%mul3A_298] : memref<425984xi32, #tpu.memory_space<hbm>> -> memref<1024xi32, #tpu.memory_space<hbm>>
    tpu.wait_dma2 semaphore(%arg13 : memref<!tpu.dma_semaphore, #tpu.memory_space<semaphore_mem>>) src(%dma_wait3A_300 : memref<1024xi32, #tpu.memory_space<hbm>>) dst(%arg8 : memref<1024xi32, #tpu.memory_space<vmem>>)
    %mul3A_301 = arith.constant 128 : i32
    %mul3A_302 = arith.muli %add3A_296, %mul3A_301 : i32
    %add3A_303 = arith.constant 1000000 : i32
    %add3A_304 = arith.addi %add3A_303, %mul3A_302 : i32
    %scan3A_305 = arith.constant 0 : i32
    %scan3A_306 = arith.constant 0 : i32
    %scan3A_307 = arith.constant 64 : i32
    %scan3A_308 = arith.addi %scan3A_306, %scan3A_307 : i32
    %scan3A_309 = arith.constant 1 : i32
    scf.for %scan3A_923 = %scan3A_306 to %scan3A_308 step %scan3A_309  : i32 {
      %mul3A_924 = arith.constant 16 : i32
      %mul3A_925 = arith.muli %scan3A_923, %mul3A_924 : i32
      %multiple_of3A = tpu.assume_multiple %mul3A_925, 16 : i32
      %get3A = arith.index_cast %multiple_of3A : i32 to index
      %get3A_926 = tpu.vector_load %arg8[%get3A] {strides = array<i32>} : memref<1024xi32, #tpu.memory_space<vmem>>, vector<16xi32>,
      %get3A_927 = vector.shape_cast %get3A_926 : vector<16xi32> to vector<16xi32>
      %ge3A = arith.constant 999936 : i32
      %ge3A_928 = vector.broadcast %ge3A : i32 to vector<16xi32>
      %ge3A_929 = arith.cmpi sge, %get3A_927, %ge3A_928 : vector<16xi32>
      %jit3A = arith.constant 999936 : i32
      %broadcast_in_dim3A = vector.broadcast %add3A_304 : i32 to vector<16xi32>
      %broadcast_in_dim3A_930 = vector.broadcast %jit3A : i32 to vector<16xi32>
      %select_n3A = arith.select %ge3A_929, %broadcast_in_dim3A, %broadcast_in_dim3A_930 : vector<16xi1>, vector<16xi32>
      %add3A_931 = arith.addi %get3A_927, %select_n3A : vector<16xi32>
      %swap3A = arith.index_cast %multiple_of3A : i32 to index
      %swap3A_932 = tpu.vector_load %arg8[%swap3A] {strides = array<i32>} : memref<1024xi32, #tpu.memory_space<vmem>>, vector<16xi32>,
      %swap3A_933 = vector.shape_cast %swap3A_932 : vector<16xi32> to vector<16xi32>
      %swap3A_934 = vector.shape_cast %add3A_931 : vector<16xi32> to vector<16xi32>
      tpu.vector_store %arg8[%swap3A], %swap3A_934 {strides = array<i32>} : memref<1024xi32, #tpu.memory_space<vmem>>, vector<16xi32>,
    }
    %scan3A_310 = arith.constant 64 : i32
    %dma_start3A_311 = arith.constant 0 : i32
    %dma_start3A_312 = tpu.memref_slice %arg6[%dma_start3A_311] : memref<2003200xf32, #tpu.memory_space<vmem_shared>> -> memref<2003200xf32, #tpu.memory_space<vmem_shared>>
    tpu.enqueue_indirect_dma source(%dma_start3A_312 : memref<2003200xf32, #tpu.memory_space<vmem_shared>>) target(%arg9 : memref<1024xf32, #tpu.memory_space<vmem>>) offsets(%arg8 : memref<1024xi32, #tpu.memory_space<vmem>>) semaphore(%arg12 : memref<!tpu.dma_semaphore, #tpu.memory_space<semaphore_mem>>)
    %dma_wait3A_313 = arith.constant 0 : i32
    %dma_wait3A_314 = tpu.memref_slice %arg6[%dma_wait3A_313] : memref<2003200xf32, #tpu.memory_space<vmem_shared>> -> memref<2003200xf32, #tpu.memory_space<vmem_shared>>
    tpu.wait_indirect_dma semaphore(%arg12 : memref<!tpu.dma_semaphore, #tpu.memory_space<semaphore_mem>>) src(%dma_wait3A_314 : memref<2003200xf32, #tpu.memory_space<vmem_shared>>) dst(%arg9 : memref<1024xf32, #tpu.memory_space<vmem>>)
    %scan3A_315 = arith.constant 0 : i32
    %scan3A_316 = arith.constant 0 : i32
    %scan3A_317 = arith.constant 64 : i32
    %scan3A_318 = arith.addi %scan3A_316, %scan3A_317 : i32
    %scan3A_319 = arith.constant 1 : i32
    scf.for %scan3A_923 = %scan3A_316 to %scan3A_318 step %scan3A_319  : i32 {
      %mul3A_924 = arith.constant 16 : i32
      %mul3A_925 = arith.muli %scan3A_923, %mul3A_924 : i32
      %multiple_of3A = tpu.assume_multiple %mul3A_925, 16 : i32
      %get3A = arith.index_cast %multiple_of3A : i32 to index
      %get3A_926 = tpu.vector_load %arg10[%get3A] {strides = array<i32>} : memref<1024xf32, #tpu.memory_space<vmem>>, vector<16xf32>,
      %get3A_927 = vector.shape_cast %get3A_926 : vector<16xf32> to vector<16xf32>
      %get3A_928 = arith.index_cast %multiple_of3A : i32 to index
      %get3A_929 = tpu.vector_load %arg9[%get3A_928] {strides = array<i32>} : memref<1024xf32, #tpu.memory_space<vmem>>, vector<16xf32>,
      %get3A_930 = vector.shape_cast %get3A_929 : vector<16xf32> to vector<16xf32>
      %add3A_931 = arith.addf %get3A_927, %get3A_930 : vector<16xf32>
      %swap3A = arith.index_cast %multiple_of3A : i32 to index
      %swap3A_932 = tpu.vector_load %arg10[%swap3A] {strides = array<i32>} : memref<1024xf32, #tpu.memory_space<vmem>>, vector<16xf32>,
      %swap3A_933 = vector.shape_cast %swap3A_932 : vector<16xf32> to vector<16xf32>
      %swap3A_934 = vector.shape_cast %add3A_931 : vector<16xf32> to vector<16xf32>
      tpu.vector_store %arg10[%swap3A], %swap3A_934 {strides = array<i32>} : memref<1024xf32, #tpu.memory_space<vmem>>, vector<16xf32>,
    }
    %scan3A_320 = arith.constant 64 : i32
    %add3A_321 = arith.constant 0 : i32
    %add3A_322 = arith.addi %add3A_321, %mul3A_0 : i32
    %dma_wait3A_323 = arith.constant 0 : i32
    %dma_wait3A_324 = tpu.memref_slice %arg6[%add3A_322] : memref<2003200xf32, #tpu.memory_space<vmem_shared>> -> memref<62976xf32, #tpu.memory_space<vmem_shared>>
    %dma_wait3A_325 = arith.constant 0 : i32
    %dma_wait3A_326 = tpu.memref_slice %arg3[%dma_wait3A_323, %dma_wait3A_325] : memref<26x1000000xf32, #tpu.memory_space<hbm>> -> memref<1x1000000xf32, #tpu.memory_space<hbm>>
    %dma_wait3A_327 = tpu.memref_squeeze %dma_wait3A_326 : memref<1x1000000xf32, #tpu.memory_space<hbm>> -> memref<1000000xf32, #tpu.memory_space<hbm>>
    %dma_wait3A_328 = tpu.memref_slice %dma_wait3A_327[%mul3A_0] : memref<1000000xf32, #tpu.memory_space<hbm>> -> memref<62976xf32, #tpu.memory_space<hbm>>
    tpu.wait_dma2 semaphore(%arg11 : memref<!tpu.dma_semaphore, #tpu.memory_space<semaphore_mem>>) src(%dma_wait3A_328 : memref<62976xf32, #tpu.memory_space<hbm>>) dst(%dma_wait3A_324 : memref<62976xf32, #tpu.memory_space<vmem_shared>>)
    %barrier3A_329 = arith.constant 0 : index
    tpu.barrier barrier_id(%barrier3A_329)
    %mul3A_330 = arith.constant 13 : i32
    %mul3A_331 = arith.muli %arg0, %mul3A_330 : i32
    %add3A_332 = arith.constant 5 : i32
    %add3A_333 = arith.addi %mul3A_331, %add3A_332 : i32
    %add3A_334 = arith.constant 999936 : i32
    %add3A_335 = arith.addi %add3A_334, %mul3A_0 : i32
    %dma_start3A_336 = tpu.memref_slice %arg6[%add3A_335] : memref<2003200xf32, #tpu.memory_space<vmem_shared>> -> memref<31488xf32, #tpu.memory_space<vmem_shared>>
    %dma_start3A_337 = arith.constant 0 : i32
    %dma_start3A_338 = tpu.memref_slice %arg3[%add3A_333, %dma_start3A_337] : memref<26x1000000xf32, #tpu.memory_space<hbm>> -> memref<1x1000000xf32, #tpu.memory_space<hbm>>
    %dma_start3A_339 = tpu.memref_squeeze %dma_start3A_338 : memref<1x1000000xf32, #tpu.memory_space<hbm>> -> memref<1000000xf32, #tpu.memory_space<hbm>>
    %dma_start3A_340 = tpu.memref_slice %dma_start3A_339[%mul3A_0] : memref<1000000xf32, #tpu.memory_space<hbm>> -> memref<31488xf32, #tpu.memory_space<hbm>>
    tpu.enqueue_dma source(%dma_start3A_340 : memref<31488xf32, #tpu.memory_space<hbm>>) target(%dma_start3A_336 : memref<31488xf32, #tpu.memory_space<vmem_shared>>) target_semaphore(%arg11 : memref<!tpu.dma_semaphore, #tpu.memory_space<semaphore_mem>>)
    %add3A_341 = arith.constant 31488 : i32
    %add3A_342 = arith.addi %mul3A_0, %add3A_341 : i32
    %add3A_343 = arith.constant 999936 : i32
    %add3A_344 = arith.addi %add3A_343, %mul3A_0 : i32
    %add3A_345 = arith.constant 31488 : i32
    %add3A_346 = arith.addi %add3A_344, %add3A_345 : i32
    %dma_start3A_347 = tpu.memref_slice %arg6[%add3A_346] : memref<2003200xf32, #tpu.memory_space<vmem_shared>> -> memref<31488xf32, #tpu.memory_space<vmem_shared>>
    %dma_start3A_348 = arith.constant 0 : i32
    %dma_start3A_349 = tpu.memref_slice %arg3[%add3A_333, %dma_start3A_348] : memref<26x1000000xf32, #tpu.memory_space<hbm>> -> memref<1x1000000xf32, #tpu.memory_space<hbm>>
    %dma_start3A_350 = tpu.memref_squeeze %dma_start3A_349 : memref<1x1000000xf32, #tpu.memory_space<hbm>> -> memref<1000000xf32, #tpu.memory_space<hbm>>
    %dma_start3A_351 = tpu.memref_slice %dma_start3A_350[%add3A_342] : memref<1000000xf32, #tpu.memory_space<hbm>> -> memref<31488xf32, #tpu.memory_space<hbm>>
    tpu.enqueue_dma source(%dma_start3A_351 : memref<31488xf32, #tpu.memory_space<hbm>>) target(%dma_start3A_347 : memref<31488xf32, #tpu.memory_space<vmem_shared>>) target_semaphore(%arg11 : memref<!tpu.dma_semaphore, #tpu.memory_space<semaphore_mem>>)
    %mul3A_352 = arith.constant 13 : i32
    %mul3A_353 = arith.muli %arg0, %mul3A_352 : i32
    %add3A_354 = arith.constant 5 : i32
    %add3A_355 = arith.addi %mul3A_353, %add3A_354 : i32
    %mul3A_356 = arith.constant 16384 : i32
    %mul3A_357 = arith.muli %add3A_355, %mul3A_356 : i32
    %mul3A_358 = arith.constant 1024 : i32
    %mul3A_359 = arith.muli %arg1, %mul3A_358 : i32
    %add3A_360 = arith.addi %mul3A_357, %mul3A_359 : i32
    %dma_start3A_361 = tpu.memref_slice %arg2[%add3A_360] : memref<425984xi32, #tpu.memory_space<hbm>> -> memref<1024xi32, #tpu.memory_space<hbm>>
    %dma_start3A_362 = tpu.memref_slice %arg2[%add3A_360] : memref<425984xi32, #tpu.memory_space<hbm>> -> memref<1024xi32, #tpu.memory_space<hbm>>
    tpu.enqueue_dma source(%dma_start3A_362 : memref<1024xi32, #tpu.memory_space<hbm>>) target(%arg8 : memref<1024xi32, #tpu.memory_space<vmem>>) target_semaphore(%arg13 : memref<!tpu.dma_semaphore, #tpu.memory_space<semaphore_mem>>)
    %mul3A_363 = arith.constant 13 : i32
    %mul3A_364 = arith.muli %arg0, %mul3A_363 : i32
    %add3A_365 = arith.constant 4 : i32
    %add3A_366 = arith.addi %mul3A_364, %add3A_365 : i32
    %mul3A_367 = arith.constant 1024 : i32
    %mul3A_368 = arith.muli %arg1, %mul3A_367 : i32
    %dma_wait3A_369 = tpu.memref_slice %arg2[%mul3A_368] : memref<425984xi32, #tpu.memory_space<hbm>> -> memref<1024xi32, #tpu.memory_space<hbm>>
    %dma_wait3A_370 = tpu.memref_slice %arg2[%mul3A_368] : memref<425984xi32, #tpu.memory_space<hbm>> -> memref<1024xi32, #tpu.memory_space<hbm>>
    tpu.wait_dma2 semaphore(%arg13 : memref<!tpu.dma_semaphore, #tpu.memory_space<semaphore_mem>>) src(%dma_wait3A_370 : memref<1024xi32, #tpu.memory_space<hbm>>) dst(%arg7 : memref<1024xi32, #tpu.memory_space<vmem>>)
    %mul3A_371 = arith.constant 128 : i32
    %mul3A_372 = arith.muli %add3A_366, %mul3A_371 : i32
    %add3A_373 = arith.constant 1000000 : i32
    %add3A_374 = arith.addi %add3A_373, %mul3A_372 : i32
    %scan3A_375 = arith.constant 0 : i32
    %scan3A_376 = arith.constant 0 : i32
    %scan3A_377 = arith.constant 64 : i32
    %scan3A_378 = arith.addi %scan3A_376, %scan3A_377 : i32
    %scan3A_379 = arith.constant 1 : i32
    scf.for %scan3A_923 = %scan3A_376 to %scan3A_378 step %scan3A_379  : i32 {
      %mul3A_924 = arith.constant 16 : i32
      %mul3A_925 = arith.muli %scan3A_923, %mul3A_924 : i32
      %multiple_of3A = tpu.assume_multiple %mul3A_925, 16 : i32
      %get3A = arith.index_cast %multiple_of3A : i32 to index
      %get3A_926 = tpu.vector_load %arg7[%get3A] {strides = array<i32>} : memref<1024xi32, #tpu.memory_space<vmem>>, vector<16xi32>,
      %get3A_927 = vector.shape_cast %get3A_926 : vector<16xi32> to vector<16xi32>
      %ge3A = arith.constant 999936 : i32
      %ge3A_928 = vector.broadcast %ge3A : i32 to vector<16xi32>
      %ge3A_929 = arith.cmpi sge, %get3A_927, %ge3A_928 : vector<16xi32>
      %jit3A = arith.constant 0 : i32
      %broadcast_in_dim3A = vector.broadcast %add3A_374 : i32 to vector<16xi32>
      %broadcast_in_dim3A_930 = vector.broadcast %jit3A : i32 to vector<16xi32>
      %select_n3A = arith.select %ge3A_929, %broadcast_in_dim3A, %broadcast_in_dim3A_930 : vector<16xi1>, vector<16xi32>
      %add3A_931 = arith.addi %get3A_927, %select_n3A : vector<16xi32>
      %swap3A = arith.index_cast %multiple_of3A : i32 to index
      %swap3A_932 = tpu.vector_load %arg7[%swap3A] {strides = array<i32>} : memref<1024xi32, #tpu.memory_space<vmem>>, vector<16xi32>,
      %swap3A_933 = vector.shape_cast %swap3A_932 : vector<16xi32> to vector<16xi32>
      %swap3A_934 = vector.shape_cast %add3A_931 : vector<16xi32> to vector<16xi32>
      tpu.vector_store %arg7[%swap3A], %swap3A_934 {strides = array<i32>} : memref<1024xi32, #tpu.memory_space<vmem>>, vector<16xi32>,
    }
    %scan3A_380 = arith.constant 64 : i32
    %dma_start3A_381 = arith.constant 0 : i32
    %dma_start3A_382 = tpu.memref_slice %arg6[%dma_start3A_381] : memref<2003200xf32, #tpu.memory_space<vmem_shared>> -> memref<2003200xf32, #tpu.memory_space<vmem_shared>>
    tpu.enqueue_indirect_dma source(%dma_start3A_382 : memref<2003200xf32, #tpu.memory_space<vmem_shared>>) target(%arg9 : memref<1024xf32, #tpu.memory_space<vmem>>) offsets(%arg7 : memref<1024xi32, #tpu.memory_space<vmem>>) semaphore(%arg12 : memref<!tpu.dma_semaphore, #tpu.memory_space<semaphore_mem>>)
    %dma_wait3A_383 = arith.constant 0 : i32
    %dma_wait3A_384 = tpu.memref_slice %arg6[%dma_wait3A_383] : memref<2003200xf32, #tpu.memory_space<vmem_shared>> -> memref<2003200xf32, #tpu.memory_space<vmem_shared>>
    tpu.wait_indirect_dma semaphore(%arg12 : memref<!tpu.dma_semaphore, #tpu.memory_space<semaphore_mem>>) src(%dma_wait3A_384 : memref<2003200xf32, #tpu.memory_space<vmem_shared>>) dst(%arg9 : memref<1024xf32, #tpu.memory_space<vmem>>)
    %scan3A_385 = arith.constant 0 : i32
    %scan3A_386 = arith.constant 0 : i32
    %scan3A_387 = arith.constant 64 : i32
    %scan3A_388 = arith.addi %scan3A_386, %scan3A_387 : i32
    %scan3A_389 = arith.constant 1 : i32
    scf.for %scan3A_923 = %scan3A_386 to %scan3A_388 step %scan3A_389  : i32 {
      %mul3A_924 = arith.constant 16 : i32
      %mul3A_925 = arith.muli %scan3A_923, %mul3A_924 : i32
      %multiple_of3A = tpu.assume_multiple %mul3A_925, 16 : i32
      %get3A = arith.index_cast %multiple_of3A : i32 to index
      %get3A_926 = tpu.vector_load %arg10[%get3A] {strides = array<i32>} : memref<1024xf32, #tpu.memory_space<vmem>>, vector<16xf32>,
      %get3A_927 = vector.shape_cast %get3A_926 : vector<16xf32> to vector<16xf32>
      %get3A_928 = arith.index_cast %multiple_of3A : i32 to index
      %get3A_929 = tpu.vector_load %arg9[%get3A_928] {strides = array<i32>} : memref<1024xf32, #tpu.memory_space<vmem>>, vector<16xf32>,
      %get3A_930 = vector.shape_cast %get3A_929 : vector<16xf32> to vector<16xf32>
      %add3A_931 = arith.addf %get3A_927, %get3A_930 : vector<16xf32>
      %swap3A = arith.index_cast %multiple_of3A : i32 to index
      %swap3A_932 = tpu.vector_load %arg10[%swap3A] {strides = array<i32>} : memref<1024xf32, #tpu.memory_space<vmem>>, vector<16xf32>,
      %swap3A_933 = vector.shape_cast %swap3A_932 : vector<16xf32> to vector<16xf32>
      %swap3A_934 = vector.shape_cast %add3A_931 : vector<16xf32> to vector<16xf32>
      tpu.vector_store %arg10[%swap3A], %swap3A_934 {strides = array<i32>} : memref<1024xf32, #tpu.memory_space<vmem>>, vector<16xf32>,
    }
    %scan3A_390 = arith.constant 64 : i32
    %add3A_391 = arith.constant 999936 : i32
    %add3A_392 = arith.addi %add3A_391, %mul3A_0 : i32
    %dma_wait3A_393 = arith.constant 0 : i32
    %dma_wait3A_394 = tpu.memref_slice %arg6[%add3A_392] : memref<2003200xf32, #tpu.memory_space<vmem_shared>> -> memref<62976xf32, #tpu.memory_space<vmem_shared>>
    %dma_wait3A_395 = arith.constant 0 : i32
    %dma_wait3A_396 = tpu.memref_slice %arg3[%dma_wait3A_393, %dma_wait3A_395] : memref<26x1000000xf32, #tpu.memory_space<hbm>> -> memref<1x1000000xf32, #tpu.memory_space<hbm>>
    %dma_wait3A_397 = tpu.memref_squeeze %dma_wait3A_396 : memref<1x1000000xf32, #tpu.memory_space<hbm>> -> memref<1000000xf32, #tpu.memory_space<hbm>>
    %dma_wait3A_398 = tpu.memref_slice %dma_wait3A_397[%mul3A_0] : memref<1000000xf32, #tpu.memory_space<hbm>> -> memref<62976xf32, #tpu.memory_space<hbm>>
    tpu.wait_dma2 semaphore(%arg11 : memref<!tpu.dma_semaphore, #tpu.memory_space<semaphore_mem>>) src(%dma_wait3A_398 : memref<62976xf32, #tpu.memory_space<hbm>>) dst(%dma_wait3A_394 : memref<62976xf32, #tpu.memory_space<vmem_shared>>)
    %barrier3A_399 = arith.constant 0 : index
    tpu.barrier barrier_id(%barrier3A_399)
    %mul3A_400 = arith.constant 13 : i32
    %mul3A_401 = arith.muli %arg0, %mul3A_400 : i32
    %add3A_402 = arith.constant 6 : i32
    %add3A_403 = arith.addi %mul3A_401, %add3A_402 : i32
    %add3A_404 = arith.constant 0 : i32
    %add3A_405 = arith.addi %add3A_404, %mul3A_0 : i32
    %dma_start3A_406 = tpu.memref_slice %arg6[%add3A_405] : memref<2003200xf32, #tpu.memory_space<vmem_shared>> -> memref<31488xf32, #tpu.memory_space<vmem_shared>>
    %dma_start3A_407 = arith.constant 0 : i32
    %dma_start3A_408 = tpu.memref_slice %arg3[%add3A_403, %dma_start3A_407] : memref<26x1000000xf32, #tpu.memory_space<hbm>> -> memref<1x1000000xf32, #tpu.memory_space<hbm>>
    %dma_start3A_409 = tpu.memref_squeeze %dma_start3A_408 : memref<1x1000000xf32, #tpu.memory_space<hbm>> -> memref<1000000xf32, #tpu.memory_space<hbm>>
    %dma_start3A_410 = tpu.memref_slice %dma_start3A_409[%mul3A_0] : memref<1000000xf32, #tpu.memory_space<hbm>> -> memref<31488xf32, #tpu.memory_space<hbm>>
    tpu.enqueue_dma source(%dma_start3A_410 : memref<31488xf32, #tpu.memory_space<hbm>>) target(%dma_start3A_406 : memref<31488xf32, #tpu.memory_space<vmem_shared>>) target_semaphore(%arg11 : memref<!tpu.dma_semaphore, #tpu.memory_space<semaphore_mem>>)
    %add3A_411 = arith.constant 31488 : i32
    %add3A_412 = arith.addi %mul3A_0, %add3A_411 : i32
    %add3A_413 = arith.constant 0 : i32
    %add3A_414 = arith.addi %add3A_413, %mul3A_0 : i32
    %add3A_415 = arith.constant 31488 : i32
    %add3A_416 = arith.addi %add3A_414, %add3A_415 : i32
    %dma_start3A_417 = tpu.memref_slice %arg6[%add3A_416] : memref<2003200xf32, #tpu.memory_space<vmem_shared>> -> memref<31488xf32, #tpu.memory_space<vmem_shared>>
    %dma_start3A_418 = arith.constant 0 : i32
    %dma_start3A_419 = tpu.memref_slice %arg3[%add3A_403, %dma_start3A_418] : memref<26x1000000xf32, #tpu.memory_space<hbm>> -> memref<1x1000000xf32, #tpu.memory_space<hbm>>
    %dma_start3A_420 = tpu.memref_squeeze %dma_start3A_419 : memref<1x1000000xf32, #tpu.memory_space<hbm>> -> memref<1000000xf32, #tpu.memory_space<hbm>>
    %dma_start3A_421 = tpu.memref_slice %dma_start3A_420[%add3A_412] : memref<1000000xf32, #tpu.memory_space<hbm>> -> memref<31488xf32, #tpu.memory_space<hbm>>
    tpu.enqueue_dma source(%dma_start3A_421 : memref<31488xf32, #tpu.memory_space<hbm>>) target(%dma_start3A_417 : memref<31488xf32, #tpu.memory_space<vmem_shared>>) target_semaphore(%arg11 : memref<!tpu.dma_semaphore, #tpu.memory_space<semaphore_mem>>)
    %mul3A_422 = arith.constant 13 : i32
    %mul3A_423 = arith.muli %arg0, %mul3A_422 : i32
    %add3A_424 = arith.constant 6 : i32
    %add3A_425 = arith.addi %mul3A_423, %add3A_424 : i32
    %mul3A_426 = arith.constant 16384 : i32
    %mul3A_427 = arith.muli %add3A_425, %mul3A_426 : i32
    %mul3A_428 = arith.constant 1024 : i32
    %mul3A_429 = arith.muli %arg1, %mul3A_428 : i32
    %add3A_430 = arith.addi %mul3A_427, %mul3A_429 : i32
    %dma_start3A_431 = tpu.memref_slice %arg2[%add3A_430] : memref<425984xi32, #tpu.memory_space<hbm>> -> memref<1024xi32, #tpu.memory_space<hbm>>
    %dma_start3A_432 = tpu.memref_slice %arg2[%add3A_430] : memref<425984xi32, #tpu.memory_space<hbm>> -> memref<1024xi32, #tpu.memory_space<hbm>>
    tpu.enqueue_dma source(%dma_start3A_432 : memref<1024xi32, #tpu.memory_space<hbm>>) target(%arg7 : memref<1024xi32, #tpu.memory_space<vmem>>) target_semaphore(%arg13 : memref<!tpu.dma_semaphore, #tpu.memory_space<semaphore_mem>>)
    %mul3A_433 = arith.constant 13 : i32
    %mul3A_434 = arith.muli %arg0, %mul3A_433 : i32
    %add3A_435 = arith.constant 5 : i32
    %add3A_436 = arith.addi %mul3A_434, %add3A_435 : i32
    %mul3A_437 = arith.constant 1024 : i32
    %mul3A_438 = arith.muli %arg1, %mul3A_437 : i32
    %dma_wait3A_439 = tpu.memref_slice %arg2[%mul3A_438] : memref<425984xi32, #tpu.memory_space<hbm>> -> memref<1024xi32, #tpu.memory_space<hbm>>
    %dma_wait3A_440 = tpu.memref_slice %arg2[%mul3A_438] : memref<425984xi32, #tpu.memory_space<hbm>> -> memref<1024xi32, #tpu.memory_space<hbm>>
    tpu.wait_dma2 semaphore(%arg13 : memref<!tpu.dma_semaphore, #tpu.memory_space<semaphore_mem>>) src(%dma_wait3A_440 : memref<1024xi32, #tpu.memory_space<hbm>>) dst(%arg8 : memref<1024xi32, #tpu.memory_space<vmem>>)
    %mul3A_441 = arith.constant 128 : i32
    %mul3A_442 = arith.muli %add3A_436, %mul3A_441 : i32
    %add3A_443 = arith.constant 1000000 : i32
    %add3A_444 = arith.addi %add3A_443, %mul3A_442 : i32
    %scan3A_445 = arith.constant 0 : i32
    %scan3A_446 = arith.constant 0 : i32
    %scan3A_447 = arith.constant 64 : i32
    %scan3A_448 = arith.addi %scan3A_446, %scan3A_447 : i32
    %scan3A_449 = arith.constant 1 : i32
    scf.for %scan3A_923 = %scan3A_446 to %scan3A_448 step %scan3A_449  : i32 {
      %mul3A_924 = arith.constant 16 : i32
      %mul3A_925 = arith.muli %scan3A_923, %mul3A_924 : i32
      %multiple_of3A = tpu.assume_multiple %mul3A_925, 16 : i32
      %get3A = arith.index_cast %multiple_of3A : i32 to index
      %get3A_926 = tpu.vector_load %arg8[%get3A] {strides = array<i32>} : memref<1024xi32, #tpu.memory_space<vmem>>, vector<16xi32>,
      %get3A_927 = vector.shape_cast %get3A_926 : vector<16xi32> to vector<16xi32>
      %ge3A = arith.constant 999936 : i32
      %ge3A_928 = vector.broadcast %ge3A : i32 to vector<16xi32>
      %ge3A_929 = arith.cmpi sge, %get3A_927, %ge3A_928 : vector<16xi32>
      %jit3A = arith.constant 999936 : i32
      %broadcast_in_dim3A = vector.broadcast %add3A_444 : i32 to vector<16xi32>
      %broadcast_in_dim3A_930 = vector.broadcast %jit3A : i32 to vector<16xi32>
      %select_n3A = arith.select %ge3A_929, %broadcast_in_dim3A, %broadcast_in_dim3A_930 : vector<16xi1>, vector<16xi32>
      %add3A_931 = arith.addi %get3A_927, %select_n3A : vector<16xi32>
      %swap3A = arith.index_cast %multiple_of3A : i32 to index
      %swap3A_932 = tpu.vector_load %arg8[%swap3A] {strides = array<i32>} : memref<1024xi32, #tpu.memory_space<vmem>>, vector<16xi32>,
      %swap3A_933 = vector.shape_cast %swap3A_932 : vector<16xi32> to vector<16xi32>
      %swap3A_934 = vector.shape_cast %add3A_931 : vector<16xi32> to vector<16xi32>
      tpu.vector_store %arg8[%swap3A], %swap3A_934 {strides = array<i32>} : memref<1024xi32, #tpu.memory_space<vmem>>, vector<16xi32>,
    }
    %scan3A_450 = arith.constant 64 : i32
    %dma_start3A_451 = arith.constant 0 : i32
    %dma_start3A_452 = tpu.memref_slice %arg6[%dma_start3A_451] : memref<2003200xf32, #tpu.memory_space<vmem_shared>> -> memref<2003200xf32, #tpu.memory_space<vmem_shared>>
    tpu.enqueue_indirect_dma source(%dma_start3A_452 : memref<2003200xf32, #tpu.memory_space<vmem_shared>>) target(%arg9 : memref<1024xf32, #tpu.memory_space<vmem>>) offsets(%arg8 : memref<1024xi32, #tpu.memory_space<vmem>>) semaphore(%arg12 : memref<!tpu.dma_semaphore, #tpu.memory_space<semaphore_mem>>)
    %dma_wait3A_453 = arith.constant 0 : i32
    %dma_wait3A_454 = tpu.memref_slice %arg6[%dma_wait3A_453] : memref<2003200xf32, #tpu.memory_space<vmem_shared>> -> memref<2003200xf32, #tpu.memory_space<vmem_shared>>
    tpu.wait_indirect_dma semaphore(%arg12 : memref<!tpu.dma_semaphore, #tpu.memory_space<semaphore_mem>>) src(%dma_wait3A_454 : memref<2003200xf32, #tpu.memory_space<vmem_shared>>) dst(%arg9 : memref<1024xf32, #tpu.memory_space<vmem>>)
    %scan3A_455 = arith.constant 0 : i32
    %scan3A_456 = arith.constant 0 : i32
    %scan3A_457 = arith.constant 64 : i32
    %scan3A_458 = arith.addi %scan3A_456, %scan3A_457 : i32
    %scan3A_459 = arith.constant 1 : i32
    scf.for %scan3A_923 = %scan3A_456 to %scan3A_458 step %scan3A_459  : i32 {
      %mul3A_924 = arith.constant 16 : i32
      %mul3A_925 = arith.muli %scan3A_923, %mul3A_924 : i32
      %multiple_of3A = tpu.assume_multiple %mul3A_925, 16 : i32
      %get3A = arith.index_cast %multiple_of3A : i32 to index
      %get3A_926 = tpu.vector_load %arg10[%get3A] {strides = array<i32>} : memref<1024xf32, #tpu.memory_space<vmem>>, vector<16xf32>,
      %get3A_927 = vector.shape_cast %get3A_926 : vector<16xf32> to vector<16xf32>
      %get3A_928 = arith.index_cast %multiple_of3A : i32 to index
      %get3A_929 = tpu.vector_load %arg9[%get3A_928] {strides = array<i32>} : memref<1024xf32, #tpu.memory_space<vmem>>, vector<16xf32>,
      %get3A_930 = vector.shape_cast %get3A_929 : vector<16xf32> to vector<16xf32>
      %add3A_931 = arith.addf %get3A_927, %get3A_930 : vector<16xf32>
      %swap3A = arith.index_cast %multiple_of3A : i32 to index
      %swap3A_932 = tpu.vector_load %arg10[%swap3A] {strides = array<i32>} : memref<1024xf32, #tpu.memory_space<vmem>>, vector<16xf32>,
      %swap3A_933 = vector.shape_cast %swap3A_932 : vector<16xf32> to vector<16xf32>
      %swap3A_934 = vector.shape_cast %add3A_931 : vector<16xf32> to vector<16xf32>
      tpu.vector_store %arg10[%swap3A], %swap3A_934 {strides = array<i32>} : memref<1024xf32, #tpu.memory_space<vmem>>, vector<16xf32>,
    }
    %scan3A_460 = arith.constant 64 : i32
    %add3A_461 = arith.constant 0 : i32
    %add3A_462 = arith.addi %add3A_461, %mul3A_0 : i32
    %dma_wait3A_463 = arith.constant 0 : i32
    %dma_wait3A_464 = tpu.memref_slice %arg6[%add3A_462] : memref<2003200xf32, #tpu.memory_space<vmem_shared>> -> memref<62976xf32, #tpu.memory_space<vmem_shared>>
    %dma_wait3A_465 = arith.constant 0 : i32
    %dma_wait3A_466 = tpu.memref_slice %arg3[%dma_wait3A_463, %dma_wait3A_465] : memref<26x1000000xf32, #tpu.memory_space<hbm>> -> memref<1x1000000xf32, #tpu.memory_space<hbm>>
    %dma_wait3A_467 = tpu.memref_squeeze %dma_wait3A_466 : memref<1x1000000xf32, #tpu.memory_space<hbm>> -> memref<1000000xf32, #tpu.memory_space<hbm>>
    %dma_wait3A_468 = tpu.memref_slice %dma_wait3A_467[%mul3A_0] : memref<1000000xf32, #tpu.memory_space<hbm>> -> memref<62976xf32, #tpu.memory_space<hbm>>
    tpu.wait_dma2 semaphore(%arg11 : memref<!tpu.dma_semaphore, #tpu.memory_space<semaphore_mem>>) src(%dma_wait3A_468 : memref<62976xf32, #tpu.memory_space<hbm>>) dst(%dma_wait3A_464 : memref<62976xf32, #tpu.memory_space<vmem_shared>>)
    %barrier3A_469 = arith.constant 0 : index
    tpu.barrier barrier_id(%barrier3A_469)
    %mul3A_470 = arith.constant 13 : i32
    %mul3A_471 = arith.muli %arg0, %mul3A_470 : i32
    %add3A_472 = arith.constant 7 : i32
    %add3A_473 = arith.addi %mul3A_471, %add3A_472 : i32
    %add3A_474 = arith.constant 999936 : i32
    %add3A_475 = arith.addi %add3A_474, %mul3A_0 : i32
    %dma_start3A_476 = tpu.memref_slice %arg6[%add3A_475] : memref<2003200xf32, #tpu.memory_space<vmem_shared>> -> memref<31488xf32, #tpu.memory_space<vmem_shared>>
    %dma_start3A_477 = arith.constant 0 : i32
    %dma_start3A_478 = tpu.memref_slice %arg3[%add3A_473, %dma_start3A_477] : memref<26x1000000xf32, #tpu.memory_space<hbm>> -> memref<1x1000000xf32, #tpu.memory_space<hbm>>
    %dma_start3A_479 = tpu.memref_squeeze %dma_start3A_478 : memref<1x1000000xf32, #tpu.memory_space<hbm>> -> memref<1000000xf32, #tpu.memory_space<hbm>>
    %dma_start3A_480 = tpu.memref_slice %dma_start3A_479[%mul3A_0] : memref<1000000xf32, #tpu.memory_space<hbm>> -> memref<31488xf32, #tpu.memory_space<hbm>>
    tpu.enqueue_dma source(%dma_start3A_480 : memref<31488xf32, #tpu.memory_space<hbm>>) target(%dma_start3A_476 : memref<31488xf32, #tpu.memory_space<vmem_shared>>) target_semaphore(%arg11 : memref<!tpu.dma_semaphore, #tpu.memory_space<semaphore_mem>>)
    %add3A_481 = arith.constant 31488 : i32
    %add3A_482 = arith.addi %mul3A_0, %add3A_481 : i32
    %add3A_483 = arith.constant 999936 : i32
    %add3A_484 = arith.addi %add3A_483, %mul3A_0 : i32
    %add3A_485 = arith.constant 31488 : i32
    %add3A_486 = arith.addi %add3A_484, %add3A_485 : i32
    %dma_start3A_487 = tpu.memref_slice %arg6[%add3A_486] : memref<2003200xf32, #tpu.memory_space<vmem_shared>> -> memref<31488xf32, #tpu.memory_space<vmem_shared>>
    %dma_start3A_488 = arith.constant 0 : i32
    %dma_start3A_489 = tpu.memref_slice %arg3[%add3A_473, %dma_start3A_488] : memref<26x1000000xf32, #tpu.memory_space<hbm>> -> memref<1x1000000xf32, #tpu.memory_space<hbm>>
    %dma_start3A_490 = tpu.memref_squeeze %dma_start3A_489 : memref<1x1000000xf32, #tpu.memory_space<hbm>> -> memref<1000000xf32, #tpu.memory_space<hbm>>
    %dma_start3A_491 = tpu.memref_slice %dma_start3A_490[%add3A_482] : memref<1000000xf32, #tpu.memory_space<hbm>> -> memref<31488xf32, #tpu.memory_space<hbm>>
    tpu.enqueue_dma source(%dma_start3A_491 : memref<31488xf32, #tpu.memory_space<hbm>>) target(%dma_start3A_487 : memref<31488xf32, #tpu.memory_space<vmem_shared>>) target_semaphore(%arg11 : memref<!tpu.dma_semaphore, #tpu.memory_space<semaphore_mem>>)
    %mul3A_492 = arith.constant 13 : i32
    %mul3A_493 = arith.muli %arg0, %mul3A_492 : i32
    %add3A_494 = arith.constant 7 : i32
    %add3A_495 = arith.addi %mul3A_493, %add3A_494 : i32
    %mul3A_496 = arith.constant 16384 : i32
    %mul3A_497 = arith.muli %add3A_495, %mul3A_496 : i32
    %mul3A_498 = arith.constant 1024 : i32
    %mul3A_499 = arith.muli %arg1, %mul3A_498 : i32
    %add3A_500 = arith.addi %mul3A_497, %mul3A_499 : i32
    %dma_start3A_501 = tpu.memref_slice %arg2[%add3A_500] : memref<425984xi32, #tpu.memory_space<hbm>> -> memref<1024xi32, #tpu.memory_space<hbm>>
    %dma_start3A_502 = tpu.memref_slice %arg2[%add3A_500] : memref<425984xi32, #tpu.memory_space<hbm>> -> memref<1024xi32, #tpu.memory_space<hbm>>
    tpu.enqueue_dma source(%dma_start3A_502 : memref<1024xi32, #tpu.memory_space<hbm>>) target(%arg8 : memref<1024xi32, #tpu.memory_space<vmem>>) target_semaphore(%arg13 : memref<!tpu.dma_semaphore, #tpu.memory_space<semaphore_mem>>)
    %mul3A_503 = arith.constant 13 : i32
    %mul3A_504 = arith.muli %arg0, %mul3A_503 : i32
    %add3A_505 = arith.constant 6 : i32
    %add3A_506 = arith.addi %mul3A_504, %add3A_505 : i32
    %mul3A_507 = arith.constant 1024 : i32
    %mul3A_508 = arith.muli %arg1, %mul3A_507 : i32
    %dma_wait3A_509 = tpu.memref_slice %arg2[%mul3A_508] : memref<425984xi32, #tpu.memory_space<hbm>> -> memref<1024xi32, #tpu.memory_space<hbm>>
    %dma_wait3A_510 = tpu.memref_slice %arg2[%mul3A_508] : memref<425984xi32, #tpu.memory_space<hbm>> -> memref<1024xi32, #tpu.memory_space<hbm>>
    tpu.wait_dma2 semaphore(%arg13 : memref<!tpu.dma_semaphore, #tpu.memory_space<semaphore_mem>>) src(%dma_wait3A_510 : memref<1024xi32, #tpu.memory_space<hbm>>) dst(%arg7 : memref<1024xi32, #tpu.memory_space<vmem>>)
    %mul3A_511 = arith.constant 128 : i32
    %mul3A_512 = arith.muli %add3A_506, %mul3A_511 : i32
    %add3A_513 = arith.constant 1000000 : i32
    %add3A_514 = arith.addi %add3A_513, %mul3A_512 : i32
    %scan3A_515 = arith.constant 0 : i32
    %scan3A_516 = arith.constant 0 : i32
    %scan3A_517 = arith.constant 64 : i32
    %scan3A_518 = arith.addi %scan3A_516, %scan3A_517 : i32
    %scan3A_519 = arith.constant 1 : i32
    scf.for %scan3A_923 = %scan3A_516 to %scan3A_518 step %scan3A_519  : i32 {
      %mul3A_924 = arith.constant 16 : i32
      %mul3A_925 = arith.muli %scan3A_923, %mul3A_924 : i32
      %multiple_of3A = tpu.assume_multiple %mul3A_925, 16 : i32
      %get3A = arith.index_cast %multiple_of3A : i32 to index
      %get3A_926 = tpu.vector_load %arg7[%get3A] {strides = array<i32>} : memref<1024xi32, #tpu.memory_space<vmem>>, vector<16xi32>,
      %get3A_927 = vector.shape_cast %get3A_926 : vector<16xi32> to vector<16xi32>
      %ge3A = arith.constant 999936 : i32
      %ge3A_928 = vector.broadcast %ge3A : i32 to vector<16xi32>
      %ge3A_929 = arith.cmpi sge, %get3A_927, %ge3A_928 : vector<16xi32>
      %jit3A = arith.constant 0 : i32
      %broadcast_in_dim3A = vector.broadcast %add3A_514 : i32 to vector<16xi32>
      %broadcast_in_dim3A_930 = vector.broadcast %jit3A : i32 to vector<16xi32>
      %select_n3A = arith.select %ge3A_929, %broadcast_in_dim3A, %broadcast_in_dim3A_930 : vector<16xi1>, vector<16xi32>
      %add3A_931 = arith.addi %get3A_927, %select_n3A : vector<16xi32>
      %swap3A = arith.index_cast %multiple_of3A : i32 to index
      %swap3A_932 = tpu.vector_load %arg7[%swap3A] {strides = array<i32>} : memref<1024xi32, #tpu.memory_space<vmem>>, vector<16xi32>,
      %swap3A_933 = vector.shape_cast %swap3A_932 : vector<16xi32> to vector<16xi32>
      %swap3A_934 = vector.shape_cast %add3A_931 : vector<16xi32> to vector<16xi32>
      tpu.vector_store %arg7[%swap3A], %swap3A_934 {strides = array<i32>} : memref<1024xi32, #tpu.memory_space<vmem>>, vector<16xi32>,
    }
    %scan3A_520 = arith.constant 64 : i32
    %dma_start3A_521 = arith.constant 0 : i32
    %dma_start3A_522 = tpu.memref_slice %arg6[%dma_start3A_521] : memref<2003200xf32, #tpu.memory_space<vmem_shared>> -> memref<2003200xf32, #tpu.memory_space<vmem_shared>>
    tpu.enqueue_indirect_dma source(%dma_start3A_522 : memref<2003200xf32, #tpu.memory_space<vmem_shared>>) target(%arg9 : memref<1024xf32, #tpu.memory_space<vmem>>) offsets(%arg7 : memref<1024xi32, #tpu.memory_space<vmem>>) semaphore(%arg12 : memref<!tpu.dma_semaphore, #tpu.memory_space<semaphore_mem>>)
    %dma_wait3A_523 = arith.constant 0 : i32
    %dma_wait3A_524 = tpu.memref_slice %arg6[%dma_wait3A_523] : memref<2003200xf32, #tpu.memory_space<vmem_shared>> -> memref<2003200xf32, #tpu.memory_space<vmem_shared>>
    tpu.wait_indirect_dma semaphore(%arg12 : memref<!tpu.dma_semaphore, #tpu.memory_space<semaphore_mem>>) src(%dma_wait3A_524 : memref<2003200xf32, #tpu.memory_space<vmem_shared>>) dst(%arg9 : memref<1024xf32, #tpu.memory_space<vmem>>)
    %scan3A_525 = arith.constant 0 : i32
    %scan3A_526 = arith.constant 0 : i32
    %scan3A_527 = arith.constant 64 : i32
    %scan3A_528 = arith.addi %scan3A_526, %scan3A_527 : i32
    %scan3A_529 = arith.constant 1 : i32
    scf.for %scan3A_923 = %scan3A_526 to %scan3A_528 step %scan3A_529  : i32 {
      %mul3A_924 = arith.constant 16 : i32
      %mul3A_925 = arith.muli %scan3A_923, %mul3A_924 : i32
      %multiple_of3A = tpu.assume_multiple %mul3A_925, 16 : i32
      %get3A = arith.index_cast %multiple_of3A : i32 to index
      %get3A_926 = tpu.vector_load %arg10[%get3A] {strides = array<i32>} : memref<1024xf32, #tpu.memory_space<vmem>>, vector<16xf32>,
      %get3A_927 = vector.shape_cast %get3A_926 : vector<16xf32> to vector<16xf32>
      %get3A_928 = arith.index_cast %multiple_of3A : i32 to index
      %get3A_929 = tpu.vector_load %arg9[%get3A_928] {strides = array<i32>} : memref<1024xf32, #tpu.memory_space<vmem>>, vector<16xf32>,
      %get3A_930 = vector.shape_cast %get3A_929 : vector<16xf32> to vector<16xf32>
      %add3A_931 = arith.addf %get3A_927, %get3A_930 : vector<16xf32>
      %swap3A = arith.index_cast %multiple_of3A : i32 to index
      %swap3A_932 = tpu.vector_load %arg10[%swap3A] {strides = array<i32>} : memref<1024xf32, #tpu.memory_space<vmem>>, vector<16xf32>,
      %swap3A_933 = vector.shape_cast %swap3A_932 : vector<16xf32> to vector<16xf32>
      %swap3A_934 = vector.shape_cast %add3A_931 : vector<16xf32> to vector<16xf32>
      tpu.vector_store %arg10[%swap3A], %swap3A_934 {strides = array<i32>} : memref<1024xf32, #tpu.memory_space<vmem>>, vector<16xf32>,
    }
    %scan3A_530 = arith.constant 64 : i32
    %add3A_531 = arith.constant 999936 : i32
    %add3A_532 = arith.addi %add3A_531, %mul3A_0 : i32
    %dma_wait3A_533 = arith.constant 0 : i32
    %dma_wait3A_534 = tpu.memref_slice %arg6[%add3A_532] : memref<2003200xf32, #tpu.memory_space<vmem_shared>> -> memref<62976xf32, #tpu.memory_space<vmem_shared>>
    %dma_wait3A_535 = arith.constant 0 : i32
    %dma_wait3A_536 = tpu.memref_slice %arg3[%dma_wait3A_533, %dma_wait3A_535] : memref<26x1000000xf32, #tpu.memory_space<hbm>> -> memref<1x1000000xf32, #tpu.memory_space<hbm>>
    %dma_wait3A_537 = tpu.memref_squeeze %dma_wait3A_536 : memref<1x1000000xf32, #tpu.memory_space<hbm>> -> memref<1000000xf32, #tpu.memory_space<hbm>>
    %dma_wait3A_538 = tpu.memref_slice %dma_wait3A_537[%mul3A_0] : memref<1000000xf32, #tpu.memory_space<hbm>> -> memref<62976xf32, #tpu.memory_space<hbm>>
    tpu.wait_dma2 semaphore(%arg11 : memref<!tpu.dma_semaphore, #tpu.memory_space<semaphore_mem>>) src(%dma_wait3A_538 : memref<62976xf32, #tpu.memory_space<hbm>>) dst(%dma_wait3A_534 : memref<62976xf32, #tpu.memory_space<vmem_shared>>)
    %barrier3A_539 = arith.constant 0 : index
    tpu.barrier barrier_id(%barrier3A_539)
    %mul3A_540 = arith.constant 13 : i32
    %mul3A_541 = arith.muli %arg0, %mul3A_540 : i32
    %add3A_542 = arith.constant 8 : i32
    %add3A_543 = arith.addi %mul3A_541, %add3A_542 : i32
    %add3A_544 = arith.constant 0 : i32
    %add3A_545 = arith.addi %add3A_544, %mul3A_0 : i32
    %dma_start3A_546 = tpu.memref_slice %arg6[%add3A_545] : memref<2003200xf32, #tpu.memory_space<vmem_shared>> -> memref<31488xf32, #tpu.memory_space<vmem_shared>>
    %dma_start3A_547 = arith.constant 0 : i32
    %dma_start3A_548 = tpu.memref_slice %arg3[%add3A_543, %dma_start3A_547] : memref<26x1000000xf32, #tpu.memory_space<hbm>> -> memref<1x1000000xf32, #tpu.memory_space<hbm>>
    %dma_start3A_549 = tpu.memref_squeeze %dma_start3A_548 : memref<1x1000000xf32, #tpu.memory_space<hbm>> -> memref<1000000xf32, #tpu.memory_space<hbm>>
    %dma_start3A_550 = tpu.memref_slice %dma_start3A_549[%mul3A_0] : memref<1000000xf32, #tpu.memory_space<hbm>> -> memref<31488xf32, #tpu.memory_space<hbm>>
    tpu.enqueue_dma source(%dma_start3A_550 : memref<31488xf32, #tpu.memory_space<hbm>>) target(%dma_start3A_546 : memref<31488xf32, #tpu.memory_space<vmem_shared>>) target_semaphore(%arg11 : memref<!tpu.dma_semaphore, #tpu.memory_space<semaphore_mem>>)
    %add3A_551 = arith.constant 31488 : i32
    %add3A_552 = arith.addi %mul3A_0, %add3A_551 : i32
    %add3A_553 = arith.constant 0 : i32
    %add3A_554 = arith.addi %add3A_553, %mul3A_0 : i32
    %add3A_555 = arith.constant 31488 : i32
    %add3A_556 = arith.addi %add3A_554, %add3A_555 : i32
    %dma_start3A_557 = tpu.memref_slice %arg6[%add3A_556] : memref<2003200xf32, #tpu.memory_space<vmem_shared>> -> memref<31488xf32, #tpu.memory_space<vmem_shared>>
    %dma_start3A_558 = arith.constant 0 : i32
    %dma_start3A_559 = tpu.memref_slice %arg3[%add3A_543, %dma_start3A_558] : memref<26x1000000xf32, #tpu.memory_space<hbm>> -> memref<1x1000000xf32, #tpu.memory_space<hbm>>
    %dma_start3A_560 = tpu.memref_squeeze %dma_start3A_559 : memref<1x1000000xf32, #tpu.memory_space<hbm>> -> memref<1000000xf32, #tpu.memory_space<hbm>>
    %dma_start3A_561 = tpu.memref_slice %dma_start3A_560[%add3A_552] : memref<1000000xf32, #tpu.memory_space<hbm>> -> memref<31488xf32, #tpu.memory_space<hbm>>
    tpu.enqueue_dma source(%dma_start3A_561 : memref<31488xf32, #tpu.memory_space<hbm>>) target(%dma_start3A_557 : memref<31488xf32, #tpu.memory_space<vmem_shared>>) target_semaphore(%arg11 : memref<!tpu.dma_semaphore, #tpu.memory_space<semaphore_mem>>)
    %mul3A_562 = arith.constant 13 : i32
    %mul3A_563 = arith.muli %arg0, %mul3A_562 : i32
    %add3A_564 = arith.constant 8 : i32
    %add3A_565 = arith.addi %mul3A_563, %add3A_564 : i32
    %mul3A_566 = arith.constant 16384 : i32
    %mul3A_567 = arith.muli %add3A_565, %mul3A_566 : i32
    %mul3A_568 = arith.constant 1024 : i32
    %mul3A_569 = arith.muli %arg1, %mul3A_568 : i32
    %add3A_570 = arith.addi %mul3A_567, %mul3A_569 : i32
    %dma_start3A_571 = tpu.memref_slice %arg2[%add3A_570] : memref<425984xi32, #tpu.memory_space<hbm>> -> memref<1024xi32, #tpu.memory_space<hbm>>
    %dma_start3A_572 = tpu.memref_slice %arg2[%add3A_570] : memref<425984xi32, #tpu.memory_space<hbm>> -> memref<1024xi32, #tpu.memory_space<hbm>>
    tpu.enqueue_dma source(%dma_start3A_572 : memref<1024xi32, #tpu.memory_space<hbm>>) target(%arg7 : memref<1024xi32, #tpu.memory_space<vmem>>) target_semaphore(%arg13 : memref<!tpu.dma_semaphore, #tpu.memory_space<semaphore_mem>>)
    %mul3A_573 = arith.constant 13 : i32
    %mul3A_574 = arith.muli %arg0, %mul3A_573 : i32
    %add3A_575 = arith.constant 7 : i32
    %add3A_576 = arith.addi %mul3A_574, %add3A_575 : i32
    %mul3A_577 = arith.constant 1024 : i32
    %mul3A_578 = arith.muli %arg1, %mul3A_577 : i32
    %dma_wait3A_579 = tpu.memref_slice %arg2[%mul3A_578] : memref<425984xi32, #tpu.memory_space<hbm>> -> memref<1024xi32, #tpu.memory_space<hbm>>
    %dma_wait3A_580 = tpu.memref_slice %arg2[%mul3A_578] : memref<425984xi32, #tpu.memory_space<hbm>> -> memref<1024xi32, #tpu.memory_space<hbm>>
    tpu.wait_dma2 semaphore(%arg13 : memref<!tpu.dma_semaphore, #tpu.memory_space<semaphore_mem>>) src(%dma_wait3A_580 : memref<1024xi32, #tpu.memory_space<hbm>>) dst(%arg8 : memref<1024xi32, #tpu.memory_space<vmem>>)
    %mul3A_581 = arith.constant 128 : i32
    %mul3A_582 = arith.muli %add3A_576, %mul3A_581 : i32
    %add3A_583 = arith.constant 1000000 : i32
    %add3A_584 = arith.addi %add3A_583, %mul3A_582 : i32
    %scan3A_585 = arith.constant 0 : i32
    %scan3A_586 = arith.constant 0 : i32
    %scan3A_587 = arith.constant 64 : i32
    %scan3A_588 = arith.addi %scan3A_586, %scan3A_587 : i32
    %scan3A_589 = arith.constant 1 : i32
    scf.for %scan3A_923 = %scan3A_586 to %scan3A_588 step %scan3A_589  : i32 {
      %mul3A_924 = arith.constant 16 : i32
      %mul3A_925 = arith.muli %scan3A_923, %mul3A_924 : i32
      %multiple_of3A = tpu.assume_multiple %mul3A_925, 16 : i32
      %get3A = arith.index_cast %multiple_of3A : i32 to index
      %get3A_926 = tpu.vector_load %arg8[%get3A] {strides = array<i32>} : memref<1024xi32, #tpu.memory_space<vmem>>, vector<16xi32>,
      %get3A_927 = vector.shape_cast %get3A_926 : vector<16xi32> to vector<16xi32>
      %ge3A = arith.constant 999936 : i32
      %ge3A_928 = vector.broadcast %ge3A : i32 to vector<16xi32>
      %ge3A_929 = arith.cmpi sge, %get3A_927, %ge3A_928 : vector<16xi32>
      %jit3A = arith.constant 999936 : i32
      %broadcast_in_dim3A = vector.broadcast %add3A_584 : i32 to vector<16xi32>
      %broadcast_in_dim3A_930 = vector.broadcast %jit3A : i32 to vector<16xi32>
      %select_n3A = arith.select %ge3A_929, %broadcast_in_dim3A, %broadcast_in_dim3A_930 : vector<16xi1>, vector<16xi32>
      %add3A_931 = arith.addi %get3A_927, %select_n3A : vector<16xi32>
      %swap3A = arith.index_cast %multiple_of3A : i32 to index
      %swap3A_932 = tpu.vector_load %arg8[%swap3A] {strides = array<i32>} : memref<1024xi32, #tpu.memory_space<vmem>>, vector<16xi32>,
      %swap3A_933 = vector.shape_cast %swap3A_932 : vector<16xi32> to vector<16xi32>
      %swap3A_934 = vector.shape_cast %add3A_931 : vector<16xi32> to vector<16xi32>
      tpu.vector_store %arg8[%swap3A], %swap3A_934 {strides = array<i32>} : memref<1024xi32, #tpu.memory_space<vmem>>, vector<16xi32>,
    }
    %scan3A_590 = arith.constant 64 : i32
    %dma_start3A_591 = arith.constant 0 : i32
    %dma_start3A_592 = tpu.memref_slice %arg6[%dma_start3A_591] : memref<2003200xf32, #tpu.memory_space<vmem_shared>> -> memref<2003200xf32, #tpu.memory_space<vmem_shared>>
    tpu.enqueue_indirect_dma source(%dma_start3A_592 : memref<2003200xf32, #tpu.memory_space<vmem_shared>>) target(%arg9 : memref<1024xf32, #tpu.memory_space<vmem>>) offsets(%arg8 : memref<1024xi32, #tpu.memory_space<vmem>>) semaphore(%arg12 : memref<!tpu.dma_semaphore, #tpu.memory_space<semaphore_mem>>)
    %dma_wait3A_593 = arith.constant 0 : i32
    %dma_wait3A_594 = tpu.memref_slice %arg6[%dma_wait3A_593] : memref<2003200xf32, #tpu.memory_space<vmem_shared>> -> memref<2003200xf32, #tpu.memory_space<vmem_shared>>
    tpu.wait_indirect_dma semaphore(%arg12 : memref<!tpu.dma_semaphore, #tpu.memory_space<semaphore_mem>>) src(%dma_wait3A_594 : memref<2003200xf32, #tpu.memory_space<vmem_shared>>) dst(%arg9 : memref<1024xf32, #tpu.memory_space<vmem>>)
    %scan3A_595 = arith.constant 0 : i32
    %scan3A_596 = arith.constant 0 : i32
    %scan3A_597 = arith.constant 64 : i32
    %scan3A_598 = arith.addi %scan3A_596, %scan3A_597 : i32
    %scan3A_599 = arith.constant 1 : i32
    scf.for %scan3A_923 = %scan3A_596 to %scan3A_598 step %scan3A_599  : i32 {
      %mul3A_924 = arith.constant 16 : i32
      %mul3A_925 = arith.muli %scan3A_923, %mul3A_924 : i32
      %multiple_of3A = tpu.assume_multiple %mul3A_925, 16 : i32
      %get3A = arith.index_cast %multiple_of3A : i32 to index
      %get3A_926 = tpu.vector_load %arg10[%get3A] {strides = array<i32>} : memref<1024xf32, #tpu.memory_space<vmem>>, vector<16xf32>,
      %get3A_927 = vector.shape_cast %get3A_926 : vector<16xf32> to vector<16xf32>
      %get3A_928 = arith.index_cast %multiple_of3A : i32 to index
      %get3A_929 = tpu.vector_load %arg9[%get3A_928] {strides = array<i32>} : memref<1024xf32, #tpu.memory_space<vmem>>, vector<16xf32>,
      %get3A_930 = vector.shape_cast %get3A_929 : vector<16xf32> to vector<16xf32>
      %add3A_931 = arith.addf %get3A_927, %get3A_930 : vector<16xf32>
      %swap3A = arith.index_cast %multiple_of3A : i32 to index
      %swap3A_932 = tpu.vector_load %arg10[%swap3A] {strides = array<i32>} : memref<1024xf32, #tpu.memory_space<vmem>>, vector<16xf32>,
      %swap3A_933 = vector.shape_cast %swap3A_932 : vector<16xf32> to vector<16xf32>
      %swap3A_934 = vector.shape_cast %add3A_931 : vector<16xf32> to vector<16xf32>
      tpu.vector_store %arg10[%swap3A], %swap3A_934 {strides = array<i32>} : memref<1024xf32, #tpu.memory_space<vmem>>, vector<16xf32>,
    }
    %scan3A_600 = arith.constant 64 : i32
    %add3A_601 = arith.constant 0 : i32
    %add3A_602 = arith.addi %add3A_601, %mul3A_0 : i32
    %dma_wait3A_603 = arith.constant 0 : i32
    %dma_wait3A_604 = tpu.memref_slice %arg6[%add3A_602] : memref<2003200xf32, #tpu.memory_space<vmem_shared>> -> memref<62976xf32, #tpu.memory_space<vmem_shared>>
    %dma_wait3A_605 = arith.constant 0 : i32
    %dma_wait3A_606 = tpu.memref_slice %arg3[%dma_wait3A_603, %dma_wait3A_605] : memref<26x1000000xf32, #tpu.memory_space<hbm>> -> memref<1x1000000xf32, #tpu.memory_space<hbm>>
    %dma_wait3A_607 = tpu.memref_squeeze %dma_wait3A_606 : memref<1x1000000xf32, #tpu.memory_space<hbm>> -> memref<1000000xf32, #tpu.memory_space<hbm>>
    %dma_wait3A_608 = tpu.memref_slice %dma_wait3A_607[%mul3A_0] : memref<1000000xf32, #tpu.memory_space<hbm>> -> memref<62976xf32, #tpu.memory_space<hbm>>
    tpu.wait_dma2 semaphore(%arg11 : memref<!tpu.dma_semaphore, #tpu.memory_space<semaphore_mem>>) src(%dma_wait3A_608 : memref<62976xf32, #tpu.memory_space<hbm>>) dst(%dma_wait3A_604 : memref<62976xf32, #tpu.memory_space<vmem_shared>>)
    %barrier3A_609 = arith.constant 0 : index
    tpu.barrier barrier_id(%barrier3A_609)
    %mul3A_610 = arith.constant 13 : i32
    %mul3A_611 = arith.muli %arg0, %mul3A_610 : i32
    %add3A_612 = arith.constant 9 : i32
    %add3A_613 = arith.addi %mul3A_611, %add3A_612 : i32
    %add3A_614 = arith.constant 999936 : i32
    %add3A_615 = arith.addi %add3A_614, %mul3A_0 : i32
    %dma_start3A_616 = tpu.memref_slice %arg6[%add3A_615] : memref<2003200xf32, #tpu.memory_space<vmem_shared>> -> memref<31488xf32, #tpu.memory_space<vmem_shared>>
    %dma_start3A_617 = arith.constant 0 : i32
    %dma_start3A_618 = tpu.memref_slice %arg3[%add3A_613, %dma_start3A_617] : memref<26x1000000xf32, #tpu.memory_space<hbm>> -> memref<1x1000000xf32, #tpu.memory_space<hbm>>
    %dma_start3A_619 = tpu.memref_squeeze %dma_start3A_618 : memref<1x1000000xf32, #tpu.memory_space<hbm>> -> memref<1000000xf32, #tpu.memory_space<hbm>>
    %dma_start3A_620 = tpu.memref_slice %dma_start3A_619[%mul3A_0] : memref<1000000xf32, #tpu.memory_space<hbm>> -> memref<31488xf32, #tpu.memory_space<hbm>>
    tpu.enqueue_dma source(%dma_start3A_620 : memref<31488xf32, #tpu.memory_space<hbm>>) target(%dma_start3A_616 : memref<31488xf32, #tpu.memory_space<vmem_shared>>) target_semaphore(%arg11 : memref<!tpu.dma_semaphore, #tpu.memory_space<semaphore_mem>>)
    %add3A_621 = arith.constant 31488 : i32
    %add3A_622 = arith.addi %mul3A_0, %add3A_621 : i32
    %add3A_623 = arith.constant 999936 : i32
    %add3A_624 = arith.addi %add3A_623, %mul3A_0 : i32
    %add3A_625 = arith.constant 31488 : i32
    %add3A_626 = arith.addi %add3A_624, %add3A_625 : i32
    %dma_start3A_627 = tpu.memref_slice %arg6[%add3A_626] : memref<2003200xf32, #tpu.memory_space<vmem_shared>> -> memref<31488xf32, #tpu.memory_space<vmem_shared>>
    %dma_start3A_628 = arith.constant 0 : i32
    %dma_start3A_629 = tpu.memref_slice %arg3[%add3A_613, %dma_start3A_628] : memref<26x1000000xf32, #tpu.memory_space<hbm>> -> memref<1x1000000xf32, #tpu.memory_space<hbm>>
    %dma_start3A_630 = tpu.memref_squeeze %dma_start3A_629 : memref<1x1000000xf32, #tpu.memory_space<hbm>> -> memref<1000000xf32, #tpu.memory_space<hbm>>
    %dma_start3A_631 = tpu.memref_slice %dma_start3A_630[%add3A_622] : memref<1000000xf32, #tpu.memory_space<hbm>> -> memref<31488xf32, #tpu.memory_space<hbm>>
    tpu.enqueue_dma source(%dma_start3A_631 : memref<31488xf32, #tpu.memory_space<hbm>>) target(%dma_start3A_627 : memref<31488xf32, #tpu.memory_space<vmem_shared>>) target_semaphore(%arg11 : memref<!tpu.dma_semaphore, #tpu.memory_space<semaphore_mem>>)
    %mul3A_632 = arith.constant 13 : i32
    %mul3A_633 = arith.muli %arg0, %mul3A_632 : i32
    %add3A_634 = arith.constant 9 : i32
    %add3A_635 = arith.addi %mul3A_633, %add3A_634 : i32
    %mul3A_636 = arith.constant 16384 : i32
    %mul3A_637 = arith.muli %add3A_635, %mul3A_636 : i32
    %mul3A_638 = arith.constant 1024 : i32
    %mul3A_639 = arith.muli %arg1, %mul3A_638 : i32
    %add3A_640 = arith.addi %mul3A_637, %mul3A_639 : i32
    %dma_start3A_641 = tpu.memref_slice %arg2[%add3A_640] : memref<425984xi32, #tpu.memory_space<hbm>> -> memref<1024xi32, #tpu.memory_space<hbm>>
    %dma_start3A_642 = tpu.memref_slice %arg2[%add3A_640] : memref<425984xi32, #tpu.memory_space<hbm>> -> memref<1024xi32, #tpu.memory_space<hbm>>
    tpu.enqueue_dma source(%dma_start3A_642 : memref<1024xi32, #tpu.memory_space<hbm>>) target(%arg8 : memref<1024xi32, #tpu.memory_space<vmem>>) target_semaphore(%arg13 : memref<!tpu.dma_semaphore, #tpu.memory_space<semaphore_mem>>)
    %mul3A_643 = arith.constant 13 : i32
    %mul3A_644 = arith.muli %arg0, %mul3A_643 : i32
    %add3A_645 = arith.constant 8 : i32
    %add3A_646 = arith.addi %mul3A_644, %add3A_645 : i32
    %mul3A_647 = arith.constant 1024 : i32
    %mul3A_648 = arith.muli %arg1, %mul3A_647 : i32
    %dma_wait3A_649 = tpu.memref_slice %arg2[%mul3A_648] : memref<425984xi32, #tpu.memory_space<hbm>> -> memref<1024xi32, #tpu.memory_space<hbm>>
    %dma_wait3A_650 = tpu.memref_slice %arg2[%mul3A_648] : memref<425984xi32, #tpu.memory_space<hbm>> -> memref<1024xi32, #tpu.memory_space<hbm>>
    tpu.wait_dma2 semaphore(%arg13 : memref<!tpu.dma_semaphore, #tpu.memory_space<semaphore_mem>>) src(%dma_wait3A_650 : memref<1024xi32, #tpu.memory_space<hbm>>) dst(%arg7 : memref<1024xi32, #tpu.memory_space<vmem>>)
    %mul3A_651 = arith.constant 128 : i32
    %mul3A_652 = arith.muli %add3A_646, %mul3A_651 : i32
    %add3A_653 = arith.constant 1000000 : i32
    %add3A_654 = arith.addi %add3A_653, %mul3A_652 : i32
    %scan3A_655 = arith.constant 0 : i32
    %scan3A_656 = arith.constant 0 : i32
    %scan3A_657 = arith.constant 64 : i32
    %scan3A_658 = arith.addi %scan3A_656, %scan3A_657 : i32
    %scan3A_659 = arith.constant 1 : i32
    scf.for %scan3A_923 = %scan3A_656 to %scan3A_658 step %scan3A_659  : i32 {
      %mul3A_924 = arith.constant 16 : i32
      %mul3A_925 = arith.muli %scan3A_923, %mul3A_924 : i32
      %multiple_of3A = tpu.assume_multiple %mul3A_925, 16 : i32
      %get3A = arith.index_cast %multiple_of3A : i32 to index
      %get3A_926 = tpu.vector_load %arg7[%get3A] {strides = array<i32>} : memref<1024xi32, #tpu.memory_space<vmem>>, vector<16xi32>,
      %get3A_927 = vector.shape_cast %get3A_926 : vector<16xi32> to vector<16xi32>
      %ge3A = arith.constant 999936 : i32
      %ge3A_928 = vector.broadcast %ge3A : i32 to vector<16xi32>
      %ge3A_929 = arith.cmpi sge, %get3A_927, %ge3A_928 : vector<16xi32>
      %jit3A = arith.constant 0 : i32
      %broadcast_in_dim3A = vector.broadcast %add3A_654 : i32 to vector<16xi32>
      %broadcast_in_dim3A_930 = vector.broadcast %jit3A : i32 to vector<16xi32>
      %select_n3A = arith.select %ge3A_929, %broadcast_in_dim3A, %broadcast_in_dim3A_930 : vector<16xi1>, vector<16xi32>
      %add3A_931 = arith.addi %get3A_927, %select_n3A : vector<16xi32>
      %swap3A = arith.index_cast %multiple_of3A : i32 to index
      %swap3A_932 = tpu.vector_load %arg7[%swap3A] {strides = array<i32>} : memref<1024xi32, #tpu.memory_space<vmem>>, vector<16xi32>,
      %swap3A_933 = vector.shape_cast %swap3A_932 : vector<16xi32> to vector<16xi32>
      %swap3A_934 = vector.shape_cast %add3A_931 : vector<16xi32> to vector<16xi32>
      tpu.vector_store %arg7[%swap3A], %swap3A_934 {strides = array<i32>} : memref<1024xi32, #tpu.memory_space<vmem>>, vector<16xi32>,
    }
    %scan3A_660 = arith.constant 64 : i32
    %dma_start3A_661 = arith.constant 0 : i32
    %dma_start3A_662 = tpu.memref_slice %arg6[%dma_start3A_661] : memref<2003200xf32, #tpu.memory_space<vmem_shared>> -> memref<2003200xf32, #tpu.memory_space<vmem_shared>>
    tpu.enqueue_indirect_dma source(%dma_start3A_662 : memref<2003200xf32, #tpu.memory_space<vmem_shared>>) target(%arg9 : memref<1024xf32, #tpu.memory_space<vmem>>) offsets(%arg7 : memref<1024xi32, #tpu.memory_space<vmem>>) semaphore(%arg12 : memref<!tpu.dma_semaphore, #tpu.memory_space<semaphore_mem>>)
    %dma_wait3A_663 = arith.constant 0 : i32
    %dma_wait3A_664 = tpu.memref_slice %arg6[%dma_wait3A_663] : memref<2003200xf32, #tpu.memory_space<vmem_shared>> -> memref<2003200xf32, #tpu.memory_space<vmem_shared>>
    tpu.wait_indirect_dma semaphore(%arg12 : memref<!tpu.dma_semaphore, #tpu.memory_space<semaphore_mem>>) src(%dma_wait3A_664 : memref<2003200xf32, #tpu.memory_space<vmem_shared>>) dst(%arg9 : memref<1024xf32, #tpu.memory_space<vmem>>)
    %scan3A_665 = arith.constant 0 : i32
    %scan3A_666 = arith.constant 0 : i32
    %scan3A_667 = arith.constant 64 : i32
    %scan3A_668 = arith.addi %scan3A_666, %scan3A_667 : i32
    %scan3A_669 = arith.constant 1 : i32
    scf.for %scan3A_923 = %scan3A_666 to %scan3A_668 step %scan3A_669  : i32 {
      %mul3A_924 = arith.constant 16 : i32
      %mul3A_925 = arith.muli %scan3A_923, %mul3A_924 : i32
      %multiple_of3A = tpu.assume_multiple %mul3A_925, 16 : i32
      %get3A = arith.index_cast %multiple_of3A : i32 to index
      %get3A_926 = tpu.vector_load %arg10[%get3A] {strides = array<i32>} : memref<1024xf32, #tpu.memory_space<vmem>>, vector<16xf32>,
      %get3A_927 = vector.shape_cast %get3A_926 : vector<16xf32> to vector<16xf32>
      %get3A_928 = arith.index_cast %multiple_of3A : i32 to index
      %get3A_929 = tpu.vector_load %arg9[%get3A_928] {strides = array<i32>} : memref<1024xf32, #tpu.memory_space<vmem>>, vector<16xf32>,
      %get3A_930 = vector.shape_cast %get3A_929 : vector<16xf32> to vector<16xf32>
      %add3A_931 = arith.addf %get3A_927, %get3A_930 : vector<16xf32>
      %swap3A = arith.index_cast %multiple_of3A : i32 to index
      %swap3A_932 = tpu.vector_load %arg10[%swap3A] {strides = array<i32>} : memref<1024xf32, #tpu.memory_space<vmem>>, vector<16xf32>,
      %swap3A_933 = vector.shape_cast %swap3A_932 : vector<16xf32> to vector<16xf32>
      %swap3A_934 = vector.shape_cast %add3A_931 : vector<16xf32> to vector<16xf32>
      tpu.vector_store %arg10[%swap3A], %swap3A_934 {strides = array<i32>} : memref<1024xf32, #tpu.memory_space<vmem>>, vector<16xf32>,
    }
    %scan3A_670 = arith.constant 64 : i32
    %add3A_671 = arith.constant 999936 : i32
    %add3A_672 = arith.addi %add3A_671, %mul3A_0 : i32
    %dma_wait3A_673 = arith.constant 0 : i32
    %dma_wait3A_674 = tpu.memref_slice %arg6[%add3A_672] : memref<2003200xf32, #tpu.memory_space<vmem_shared>> -> memref<62976xf32, #tpu.memory_space<vmem_shared>>
    %dma_wait3A_675 = arith.constant 0 : i32
    %dma_wait3A_676 = tpu.memref_slice %arg3[%dma_wait3A_673, %dma_wait3A_675] : memref<26x1000000xf32, #tpu.memory_space<hbm>> -> memref<1x1000000xf32, #tpu.memory_space<hbm>>
    %dma_wait3A_677 = tpu.memref_squeeze %dma_wait3A_676 : memref<1x1000000xf32, #tpu.memory_space<hbm>> -> memref<1000000xf32, #tpu.memory_space<hbm>>
    %dma_wait3A_678 = tpu.memref_slice %dma_wait3A_677[%mul3A_0] : memref<1000000xf32, #tpu.memory_space<hbm>> -> memref<62976xf32, #tpu.memory_space<hbm>>
    tpu.wait_dma2 semaphore(%arg11 : memref<!tpu.dma_semaphore, #tpu.memory_space<semaphore_mem>>) src(%dma_wait3A_678 : memref<62976xf32, #tpu.memory_space<hbm>>) dst(%dma_wait3A_674 : memref<62976xf32, #tpu.memory_space<vmem_shared>>)
    %barrier3A_679 = arith.constant 0 : index
    tpu.barrier barrier_id(%barrier3A_679)
    %mul3A_680 = arith.constant 13 : i32
    %mul3A_681 = arith.muli %arg0, %mul3A_680 : i32
    %add3A_682 = arith.constant 10 : i32
    %add3A_683 = arith.addi %mul3A_681, %add3A_682 : i32
    %add3A_684 = arith.constant 0 : i32
    %add3A_685 = arith.addi %add3A_684, %mul3A_0 : i32
    %dma_start3A_686 = tpu.memref_slice %arg6[%add3A_685] : memref<2003200xf32, #tpu.memory_space<vmem_shared>> -> memref<31488xf32, #tpu.memory_space<vmem_shared>>
    %dma_start3A_687 = arith.constant 0 : i32
    %dma_start3A_688 = tpu.memref_slice %arg3[%add3A_683, %dma_start3A_687] : memref<26x1000000xf32, #tpu.memory_space<hbm>> -> memref<1x1000000xf32, #tpu.memory_space<hbm>>
    %dma_start3A_689 = tpu.memref_squeeze %dma_start3A_688 : memref<1x1000000xf32, #tpu.memory_space<hbm>> -> memref<1000000xf32, #tpu.memory_space<hbm>>
    %dma_start3A_690 = tpu.memref_slice %dma_start3A_689[%mul3A_0] : memref<1000000xf32, #tpu.memory_space<hbm>> -> memref<31488xf32, #tpu.memory_space<hbm>>
    tpu.enqueue_dma source(%dma_start3A_690 : memref<31488xf32, #tpu.memory_space<hbm>>) target(%dma_start3A_686 : memref<31488xf32, #tpu.memory_space<vmem_shared>>) target_semaphore(%arg11 : memref<!tpu.dma_semaphore, #tpu.memory_space<semaphore_mem>>)
    %add3A_691 = arith.constant 31488 : i32
    %add3A_692 = arith.addi %mul3A_0, %add3A_691 : i32
    %add3A_693 = arith.constant 0 : i32
    %add3A_694 = arith.addi %add3A_693, %mul3A_0 : i32
    %add3A_695 = arith.constant 31488 : i32
    %add3A_696 = arith.addi %add3A_694, %add3A_695 : i32
    %dma_start3A_697 = tpu.memref_slice %arg6[%add3A_696] : memref<2003200xf32, #tpu.memory_space<vmem_shared>> -> memref<31488xf32, #tpu.memory_space<vmem_shared>>
    %dma_start3A_698 = arith.constant 0 : i32
    %dma_start3A_699 = tpu.memref_slice %arg3[%add3A_683, %dma_start3A_698] : memref<26x1000000xf32, #tpu.memory_space<hbm>> -> memref<1x1000000xf32, #tpu.memory_space<hbm>>
    %dma_start3A_700 = tpu.memref_squeeze %dma_start3A_699 : memref<1x1000000xf32, #tpu.memory_space<hbm>> -> memref<1000000xf32, #tpu.memory_space<hbm>>
    %dma_start3A_701 = tpu.memref_slice %dma_start3A_700[%add3A_692] : memref<1000000xf32, #tpu.memory_space<hbm>> -> memref<31488xf32, #tpu.memory_space<hbm>>
    tpu.enqueue_dma source(%dma_start3A_701 : memref<31488xf32, #tpu.memory_space<hbm>>) target(%dma_start3A_697 : memref<31488xf32, #tpu.memory_space<vmem_shared>>) target_semaphore(%arg11 : memref<!tpu.dma_semaphore, #tpu.memory_space<semaphore_mem>>)
    %mul3A_702 = arith.constant 13 : i32
    %mul3A_703 = arith.muli %arg0, %mul3A_702 : i32
    %add3A_704 = arith.constant 10 : i32
    %add3A_705 = arith.addi %mul3A_703, %add3A_704 : i32
    %mul3A_706 = arith.constant 16384 : i32
    %mul3A_707 = arith.muli %add3A_705, %mul3A_706 : i32
    %mul3A_708 = arith.constant 1024 : i32
    %mul3A_709 = arith.muli %arg1, %mul3A_708 : i32
    %add3A_710 = arith.addi %mul3A_707, %mul3A_709 : i32
    %dma_start3A_711 = tpu.memref_slice %arg2[%add3A_710] : memref<425984xi32, #tpu.memory_space<hbm>> -> memref<1024xi32, #tpu.memory_space<hbm>>
    %dma_start3A_712 = tpu.memref_slice %arg2[%add3A_710] : memref<425984xi32, #tpu.memory_space<hbm>> -> memref<1024xi32, #tpu.memory_space<hbm>>
    tpu.enqueue_dma source(%dma_start3A_712 : memref<1024xi32, #tpu.memory_space<hbm>>) target(%arg7 : memref<1024xi32, #tpu.memory_space<vmem>>) target_semaphore(%arg13 : memref<!tpu.dma_semaphore, #tpu.memory_space<semaphore_mem>>)
    %mul3A_713 = arith.constant 13 : i32
    %mul3A_714 = arith.muli %arg0, %mul3A_713 : i32
    %add3A_715 = arith.constant 9 : i32
    %add3A_716 = arith.addi %mul3A_714, %add3A_715 : i32
    %mul3A_717 = arith.constant 1024 : i32
    %mul3A_718 = arith.muli %arg1, %mul3A_717 : i32
    %dma_wait3A_719 = tpu.memref_slice %arg2[%mul3A_718] : memref<425984xi32, #tpu.memory_space<hbm>> -> memref<1024xi32, #tpu.memory_space<hbm>>
    %dma_wait3A_720 = tpu.memref_slice %arg2[%mul3A_718] : memref<425984xi32, #tpu.memory_space<hbm>> -> memref<1024xi32, #tpu.memory_space<hbm>>
    tpu.wait_dma2 semaphore(%arg13 : memref<!tpu.dma_semaphore, #tpu.memory_space<semaphore_mem>>) src(%dma_wait3A_720 : memref<1024xi32, #tpu.memory_space<hbm>>) dst(%arg8 : memref<1024xi32, #tpu.memory_space<vmem>>)
    %mul3A_721 = arith.constant 128 : i32
    %mul3A_722 = arith.muli %add3A_716, %mul3A_721 : i32
    %add3A_723 = arith.constant 1000000 : i32
    %add3A_724 = arith.addi %add3A_723, %mul3A_722 : i32
    %scan3A_725 = arith.constant 0 : i32
    %scan3A_726 = arith.constant 0 : i32
    %scan3A_727 = arith.constant 64 : i32
    %scan3A_728 = arith.addi %scan3A_726, %scan3A_727 : i32
    %scan3A_729 = arith.constant 1 : i32
    scf.for %scan3A_923 = %scan3A_726 to %scan3A_728 step %scan3A_729  : i32 {
      %mul3A_924 = arith.constant 16 : i32
      %mul3A_925 = arith.muli %scan3A_923, %mul3A_924 : i32
      %multiple_of3A = tpu.assume_multiple %mul3A_925, 16 : i32
      %get3A = arith.index_cast %multiple_of3A : i32 to index
      %get3A_926 = tpu.vector_load %arg8[%get3A] {strides = array<i32>} : memref<1024xi32, #tpu.memory_space<vmem>>, vector<16xi32>,
      %get3A_927 = vector.shape_cast %get3A_926 : vector<16xi32> to vector<16xi32>
      %ge3A = arith.constant 999936 : i32
      %ge3A_928 = vector.broadcast %ge3A : i32 to vector<16xi32>
      %ge3A_929 = arith.cmpi sge, %get3A_927, %ge3A_928 : vector<16xi32>
      %jit3A = arith.constant 999936 : i32
      %broadcast_in_dim3A = vector.broadcast %add3A_724 : i32 to vector<16xi32>
      %broadcast_in_dim3A_930 = vector.broadcast %jit3A : i32 to vector<16xi32>
      %select_n3A = arith.select %ge3A_929, %broadcast_in_dim3A, %broadcast_in_dim3A_930 : vector<16xi1>, vector<16xi32>
      %add3A_931 = arith.addi %get3A_927, %select_n3A : vector<16xi32>
      %swap3A = arith.index_cast %multiple_of3A : i32 to index
      %swap3A_932 = tpu.vector_load %arg8[%swap3A] {strides = array<i32>} : memref<1024xi32, #tpu.memory_space<vmem>>, vector<16xi32>,
      %swap3A_933 = vector.shape_cast %swap3A_932 : vector<16xi32> to vector<16xi32>
      %swap3A_934 = vector.shape_cast %add3A_931 : vector<16xi32> to vector<16xi32>
      tpu.vector_store %arg8[%swap3A], %swap3A_934 {strides = array<i32>} : memref<1024xi32, #tpu.memory_space<vmem>>, vector<16xi32>,
    }
    %scan3A_730 = arith.constant 64 : i32
    %dma_start3A_731 = arith.constant 0 : i32
    %dma_start3A_732 = tpu.memref_slice %arg6[%dma_start3A_731] : memref<2003200xf32, #tpu.memory_space<vmem_shared>> -> memref<2003200xf32, #tpu.memory_space<vmem_shared>>
    tpu.enqueue_indirect_dma source(%dma_start3A_732 : memref<2003200xf32, #tpu.memory_space<vmem_shared>>) target(%arg9 : memref<1024xf32, #tpu.memory_space<vmem>>) offsets(%arg8 : memref<1024xi32, #tpu.memory_space<vmem>>) semaphore(%arg12 : memref<!tpu.dma_semaphore, #tpu.memory_space<semaphore_mem>>)
    %dma_wait3A_733 = arith.constant 0 : i32
    %dma_wait3A_734 = tpu.memref_slice %arg6[%dma_wait3A_733] : memref<2003200xf32, #tpu.memory_space<vmem_shared>> -> memref<2003200xf32, #tpu.memory_space<vmem_shared>>
    tpu.wait_indirect_dma semaphore(%arg12 : memref<!tpu.dma_semaphore, #tpu.memory_space<semaphore_mem>>) src(%dma_wait3A_734 : memref<2003200xf32, #tpu.memory_space<vmem_shared>>) dst(%arg9 : memref<1024xf32, #tpu.memory_space<vmem>>)
    %scan3A_735 = arith.constant 0 : i32
    %scan3A_736 = arith.constant 0 : i32
    %scan3A_737 = arith.constant 64 : i32
    %scan3A_738 = arith.addi %scan3A_736, %scan3A_737 : i32
    %scan3A_739 = arith.constant 1 : i32
    scf.for %scan3A_923 = %scan3A_736 to %scan3A_738 step %scan3A_739  : i32 {
      %mul3A_924 = arith.constant 16 : i32
      %mul3A_925 = arith.muli %scan3A_923, %mul3A_924 : i32
      %multiple_of3A = tpu.assume_multiple %mul3A_925, 16 : i32
      %get3A = arith.index_cast %multiple_of3A : i32 to index
      %get3A_926 = tpu.vector_load %arg10[%get3A] {strides = array<i32>} : memref<1024xf32, #tpu.memory_space<vmem>>, vector<16xf32>,
      %get3A_927 = vector.shape_cast %get3A_926 : vector<16xf32> to vector<16xf32>
      %get3A_928 = arith.index_cast %multiple_of3A : i32 to index
      %get3A_929 = tpu.vector_load %arg9[%get3A_928] {strides = array<i32>} : memref<1024xf32, #tpu.memory_space<vmem>>, vector<16xf32>,
      %get3A_930 = vector.shape_cast %get3A_929 : vector<16xf32> to vector<16xf32>
      %add3A_931 = arith.addf %get3A_927, %get3A_930 : vector<16xf32>
      %swap3A = arith.index_cast %multiple_of3A : i32 to index
      %swap3A_932 = tpu.vector_load %arg10[%swap3A] {strides = array<i32>} : memref<1024xf32, #tpu.memory_space<vmem>>, vector<16xf32>,
      %swap3A_933 = vector.shape_cast %swap3A_932 : vector<16xf32> to vector<16xf32>
      %swap3A_934 = vector.shape_cast %add3A_931 : vector<16xf32> to vector<16xf32>
      tpu.vector_store %arg10[%swap3A], %swap3A_934 {strides = array<i32>} : memref<1024xf32, #tpu.memory_space<vmem>>, vector<16xf32>,
    }
    %scan3A_740 = arith.constant 64 : i32
    %add3A_741 = arith.constant 0 : i32
    %add3A_742 = arith.addi %add3A_741, %mul3A_0 : i32
    %dma_wait3A_743 = arith.constant 0 : i32
    %dma_wait3A_744 = tpu.memref_slice %arg6[%add3A_742] : memref<2003200xf32, #tpu.memory_space<vmem_shared>> -> memref<62976xf32, #tpu.memory_space<vmem_shared>>
    %dma_wait3A_745 = arith.constant 0 : i32
    %dma_wait3A_746 = tpu.memref_slice %arg3[%dma_wait3A_743, %dma_wait3A_745] : memref<26x1000000xf32, #tpu.memory_space<hbm>> -> memref<1x1000000xf32, #tpu.memory_space<hbm>>
    %dma_wait3A_747 = tpu.memref_squeeze %dma_wait3A_746 : memref<1x1000000xf32, #tpu.memory_space<hbm>> -> memref<1000000xf32, #tpu.memory_space<hbm>>
    %dma_wait3A_748 = tpu.memref_slice %dma_wait3A_747[%mul3A_0] : memref<1000000xf32, #tpu.memory_space<hbm>> -> memref<62976xf32, #tpu.memory_space<hbm>>
    tpu.wait_dma2 semaphore(%arg11 : memref<!tpu.dma_semaphore, #tpu.memory_space<semaphore_mem>>) src(%dma_wait3A_748 : memref<62976xf32, #tpu.memory_space<hbm>>) dst(%dma_wait3A_744 : memref<62976xf32, #tpu.memory_space<vmem_shared>>)
    %barrier3A_749 = arith.constant 0 : index
    tpu.barrier barrier_id(%barrier3A_749)
    %mul3A_750 = arith.constant 13 : i32
    %mul3A_751 = arith.muli %arg0, %mul3A_750 : i32
    %add3A_752 = arith.constant 11 : i32
    %add3A_753 = arith.addi %mul3A_751, %add3A_752 : i32
    %add3A_754 = arith.constant 999936 : i32
    %add3A_755 = arith.addi %add3A_754, %mul3A_0 : i32
    %dma_start3A_756 = tpu.memref_slice %arg6[%add3A_755] : memref<2003200xf32, #tpu.memory_space<vmem_shared>> -> memref<31488xf32, #tpu.memory_space<vmem_shared>>
    %dma_start3A_757 = arith.constant 0 : i32
    %dma_start3A_758 = tpu.memref_slice %arg3[%add3A_753, %dma_start3A_757] : memref<26x1000000xf32, #tpu.memory_space<hbm>> -> memref<1x1000000xf32, #tpu.memory_space<hbm>>
    %dma_start3A_759 = tpu.memref_squeeze %dma_start3A_758 : memref<1x1000000xf32, #tpu.memory_space<hbm>> -> memref<1000000xf32, #tpu.memory_space<hbm>>
    %dma_start3A_760 = tpu.memref_slice %dma_start3A_759[%mul3A_0] : memref<1000000xf32, #tpu.memory_space<hbm>> -> memref<31488xf32, #tpu.memory_space<hbm>>
    tpu.enqueue_dma source(%dma_start3A_760 : memref<31488xf32, #tpu.memory_space<hbm>>) target(%dma_start3A_756 : memref<31488xf32, #tpu.memory_space<vmem_shared>>) target_semaphore(%arg11 : memref<!tpu.dma_semaphore, #tpu.memory_space<semaphore_mem>>)
    %add3A_761 = arith.constant 31488 : i32
    %add3A_762 = arith.addi %mul3A_0, %add3A_761 : i32
    %add3A_763 = arith.constant 999936 : i32
    %add3A_764 = arith.addi %add3A_763, %mul3A_0 : i32
    %add3A_765 = arith.constant 31488 : i32
    %add3A_766 = arith.addi %add3A_764, %add3A_765 : i32
    %dma_start3A_767 = tpu.memref_slice %arg6[%add3A_766] : memref<2003200xf32, #tpu.memory_space<vmem_shared>> -> memref<31488xf32, #tpu.memory_space<vmem_shared>>
    %dma_start3A_768 = arith.constant 0 : i32
    %dma_start3A_769 = tpu.memref_slice %arg3[%add3A_753, %dma_start3A_768] : memref<26x1000000xf32, #tpu.memory_space<hbm>> -> memref<1x1000000xf32, #tpu.memory_space<hbm>>
    %dma_start3A_770 = tpu.memref_squeeze %dma_start3A_769 : memref<1x1000000xf32, #tpu.memory_space<hbm>> -> memref<1000000xf32, #tpu.memory_space<hbm>>
    %dma_start3A_771 = tpu.memref_slice %dma_start3A_770[%add3A_762] : memref<1000000xf32, #tpu.memory_space<hbm>> -> memref<31488xf32, #tpu.memory_space<hbm>>
    tpu.enqueue_dma source(%dma_start3A_771 : memref<31488xf32, #tpu.memory_space<hbm>>) target(%dma_start3A_767 : memref<31488xf32, #tpu.memory_space<vmem_shared>>) target_semaphore(%arg11 : memref<!tpu.dma_semaphore, #tpu.memory_space<semaphore_mem>>)
    %mul3A_772 = arith.constant 13 : i32
    %mul3A_773 = arith.muli %arg0, %mul3A_772 : i32
    %add3A_774 = arith.constant 11 : i32
    %add3A_775 = arith.addi %mul3A_773, %add3A_774 : i32
    %mul3A_776 = arith.constant 16384 : i32
    %mul3A_777 = arith.muli %add3A_775, %mul3A_776 : i32
    %mul3A_778 = arith.constant 1024 : i32
    %mul3A_779 = arith.muli %arg1, %mul3A_778 : i32
    %add3A_780 = arith.addi %mul3A_777, %mul3A_779 : i32
    %dma_start3A_781 = tpu.memref_slice %arg2[%add3A_780] : memref<425984xi32, #tpu.memory_space<hbm>> -> memref<1024xi32, #tpu.memory_space<hbm>>
    %dma_start3A_782 = tpu.memref_slice %arg2[%add3A_780] : memref<425984xi32, #tpu.memory_space<hbm>> -> memref<1024xi32, #tpu.memory_space<hbm>>
    tpu.enqueue_dma source(%dma_start3A_782 : memref<1024xi32, #tpu.memory_space<hbm>>) target(%arg8 : memref<1024xi32, #tpu.memory_space<vmem>>) target_semaphore(%arg13 : memref<!tpu.dma_semaphore, #tpu.memory_space<semaphore_mem>>)
    %mul3A_783 = arith.constant 13 : i32
    %mul3A_784 = arith.muli %arg0, %mul3A_783 : i32
    %add3A_785 = arith.constant 10 : i32
    %add3A_786 = arith.addi %mul3A_784, %add3A_785 : i32
    %mul3A_787 = arith.constant 1024 : i32
    %mul3A_788 = arith.muli %arg1, %mul3A_787 : i32
    %dma_wait3A_789 = tpu.memref_slice %arg2[%mul3A_788] : memref<425984xi32, #tpu.memory_space<hbm>> -> memref<1024xi32, #tpu.memory_space<hbm>>
    %dma_wait3A_790 = tpu.memref_slice %arg2[%mul3A_788] : memref<425984xi32, #tpu.memory_space<hbm>> -> memref<1024xi32, #tpu.memory_space<hbm>>
    tpu.wait_dma2 semaphore(%arg13 : memref<!tpu.dma_semaphore, #tpu.memory_space<semaphore_mem>>) src(%dma_wait3A_790 : memref<1024xi32, #tpu.memory_space<hbm>>) dst(%arg7 : memref<1024xi32, #tpu.memory_space<vmem>>)
    %mul3A_791 = arith.constant 128 : i32
    %mul3A_792 = arith.muli %add3A_786, %mul3A_791 : i32
    %add3A_793 = arith.constant 1000000 : i32
    %add3A_794 = arith.addi %add3A_793, %mul3A_792 : i32
    %scan3A_795 = arith.constant 0 : i32
    %scan3A_796 = arith.constant 0 : i32
    %scan3A_797 = arith.constant 64 : i32
    %scan3A_798 = arith.addi %scan3A_796, %scan3A_797 : i32
    %scan3A_799 = arith.constant 1 : i32
    scf.for %scan3A_923 = %scan3A_796 to %scan3A_798 step %scan3A_799  : i32 {
      %mul3A_924 = arith.constant 16 : i32
      %mul3A_925 = arith.muli %scan3A_923, %mul3A_924 : i32
      %multiple_of3A = tpu.assume_multiple %mul3A_925, 16 : i32
      %get3A = arith.index_cast %multiple_of3A : i32 to index
      %get3A_926 = tpu.vector_load %arg7[%get3A] {strides = array<i32>} : memref<1024xi32, #tpu.memory_space<vmem>>, vector<16xi32>,
      %get3A_927 = vector.shape_cast %get3A_926 : vector<16xi32> to vector<16xi32>
      %ge3A = arith.constant 999936 : i32
      %ge3A_928 = vector.broadcast %ge3A : i32 to vector<16xi32>
      %ge3A_929 = arith.cmpi sge, %get3A_927, %ge3A_928 : vector<16xi32>
      %jit3A = arith.constant 0 : i32
      %broadcast_in_dim3A = vector.broadcast %add3A_794 : i32 to vector<16xi32>
      %broadcast_in_dim3A_930 = vector.broadcast %jit3A : i32 to vector<16xi32>
      %select_n3A = arith.select %ge3A_929, %broadcast_in_dim3A, %broadcast_in_dim3A_930 : vector<16xi1>, vector<16xi32>
      %add3A_931 = arith.addi %get3A_927, %select_n3A : vector<16xi32>
      %swap3A = arith.index_cast %multiple_of3A : i32 to index
      %swap3A_932 = tpu.vector_load %arg7[%swap3A] {strides = array<i32>} : memref<1024xi32, #tpu.memory_space<vmem>>, vector<16xi32>,
      %swap3A_933 = vector.shape_cast %swap3A_932 : vector<16xi32> to vector<16xi32>
      %swap3A_934 = vector.shape_cast %add3A_931 : vector<16xi32> to vector<16xi32>
      tpu.vector_store %arg7[%swap3A], %swap3A_934 {strides = array<i32>} : memref<1024xi32, #tpu.memory_space<vmem>>, vector<16xi32>,
    }
    %scan3A_800 = arith.constant 64 : i32
    %dma_start3A_801 = arith.constant 0 : i32
    %dma_start3A_802 = tpu.memref_slice %arg6[%dma_start3A_801] : memref<2003200xf32, #tpu.memory_space<vmem_shared>> -> memref<2003200xf32, #tpu.memory_space<vmem_shared>>
    tpu.enqueue_indirect_dma source(%dma_start3A_802 : memref<2003200xf32, #tpu.memory_space<vmem_shared>>) target(%arg9 : memref<1024xf32, #tpu.memory_space<vmem>>) offsets(%arg7 : memref<1024xi32, #tpu.memory_space<vmem>>) semaphore(%arg12 : memref<!tpu.dma_semaphore, #tpu.memory_space<semaphore_mem>>)
    %dma_wait3A_803 = arith.constant 0 : i32
    %dma_wait3A_804 = tpu.memref_slice %arg6[%dma_wait3A_803] : memref<2003200xf32, #tpu.memory_space<vmem_shared>> -> memref<2003200xf32, #tpu.memory_space<vmem_shared>>
    tpu.wait_indirect_dma semaphore(%arg12 : memref<!tpu.dma_semaphore, #tpu.memory_space<semaphore_mem>>) src(%dma_wait3A_804 : memref<2003200xf32, #tpu.memory_space<vmem_shared>>) dst(%arg9 : memref<1024xf32, #tpu.memory_space<vmem>>)
    %scan3A_805 = arith.constant 0 : i32
    %scan3A_806 = arith.constant 0 : i32
    %scan3A_807 = arith.constant 64 : i32
    %scan3A_808 = arith.addi %scan3A_806, %scan3A_807 : i32
    %scan3A_809 = arith.constant 1 : i32
    scf.for %scan3A_923 = %scan3A_806 to %scan3A_808 step %scan3A_809  : i32 {
      %mul3A_924 = arith.constant 16 : i32
      %mul3A_925 = arith.muli %scan3A_923, %mul3A_924 : i32
      %multiple_of3A = tpu.assume_multiple %mul3A_925, 16 : i32
      %get3A = arith.index_cast %multiple_of3A : i32 to index
      %get3A_926 = tpu.vector_load %arg10[%get3A] {strides = array<i32>} : memref<1024xf32, #tpu.memory_space<vmem>>, vector<16xf32>,
      %get3A_927 = vector.shape_cast %get3A_926 : vector<16xf32> to vector<16xf32>
      %get3A_928 = arith.index_cast %multiple_of3A : i32 to index
      %get3A_929 = tpu.vector_load %arg9[%get3A_928] {strides = array<i32>} : memref<1024xf32, #tpu.memory_space<vmem>>, vector<16xf32>,
      %get3A_930 = vector.shape_cast %get3A_929 : vector<16xf32> to vector<16xf32>
      %add3A_931 = arith.addf %get3A_927, %get3A_930 : vector<16xf32>
      %swap3A = arith.index_cast %multiple_of3A : i32 to index
      %swap3A_932 = tpu.vector_load %arg10[%swap3A] {strides = array<i32>} : memref<1024xf32, #tpu.memory_space<vmem>>, vector<16xf32>,
      %swap3A_933 = vector.shape_cast %swap3A_932 : vector<16xf32> to vector<16xf32>
      %swap3A_934 = vector.shape_cast %add3A_931 : vector<16xf32> to vector<16xf32>
      tpu.vector_store %arg10[%swap3A], %swap3A_934 {strides = array<i32>} : memref<1024xf32, #tpu.memory_space<vmem>>, vector<16xf32>,
    }
    %scan3A_810 = arith.constant 64 : i32
    %add3A_811 = arith.constant 999936 : i32
    %add3A_812 = arith.addi %add3A_811, %mul3A_0 : i32
    %dma_wait3A_813 = arith.constant 0 : i32
    %dma_wait3A_814 = tpu.memref_slice %arg6[%add3A_812] : memref<2003200xf32, #tpu.memory_space<vmem_shared>> -> memref<62976xf32, #tpu.memory_space<vmem_shared>>
    %dma_wait3A_815 = arith.constant 0 : i32
    %dma_wait3A_816 = tpu.memref_slice %arg3[%dma_wait3A_813, %dma_wait3A_815] : memref<26x1000000xf32, #tpu.memory_space<hbm>> -> memref<1x1000000xf32, #tpu.memory_space<hbm>>
    %dma_wait3A_817 = tpu.memref_squeeze %dma_wait3A_816 : memref<1x1000000xf32, #tpu.memory_space<hbm>> -> memref<1000000xf32, #tpu.memory_space<hbm>>
    %dma_wait3A_818 = tpu.memref_slice %dma_wait3A_817[%mul3A_0] : memref<1000000xf32, #tpu.memory_space<hbm>> -> memref<62976xf32, #tpu.memory_space<hbm>>
    tpu.wait_dma2 semaphore(%arg11 : memref<!tpu.dma_semaphore, #tpu.memory_space<semaphore_mem>>) src(%dma_wait3A_818 : memref<62976xf32, #tpu.memory_space<hbm>>) dst(%dma_wait3A_814 : memref<62976xf32, #tpu.memory_space<vmem_shared>>)
    %barrier3A_819 = arith.constant 0 : index
    tpu.barrier barrier_id(%barrier3A_819)
    %mul3A_820 = arith.constant 13 : i32
    %mul3A_821 = arith.muli %arg0, %mul3A_820 : i32
    %add3A_822 = arith.constant 12 : i32
    %add3A_823 = arith.addi %mul3A_821, %add3A_822 : i32
    %add3A_824 = arith.constant 0 : i32
    %add3A_825 = arith.addi %add3A_824, %mul3A_0 : i32
    %dma_start3A_826 = tpu.memref_slice %arg6[%add3A_825] : memref<2003200xf32, #tpu.memory_space<vmem_shared>> -> memref<31488xf32, #tpu.memory_space<vmem_shared>>
    %dma_start3A_827 = arith.constant 0 : i32
    %dma_start3A_828 = tpu.memref_slice %arg3[%add3A_823, %dma_start3A_827] : memref<26x1000000xf32, #tpu.memory_space<hbm>> -> memref<1x1000000xf32, #tpu.memory_space<hbm>>
    %dma_start3A_829 = tpu.memref_squeeze %dma_start3A_828 : memref<1x1000000xf32, #tpu.memory_space<hbm>> -> memref<1000000xf32, #tpu.memory_space<hbm>>
    %dma_start3A_830 = tpu.memref_slice %dma_start3A_829[%mul3A_0] : memref<1000000xf32, #tpu.memory_space<hbm>> -> memref<31488xf32, #tpu.memory_space<hbm>>
    tpu.enqueue_dma source(%dma_start3A_830 : memref<31488xf32, #tpu.memory_space<hbm>>) target(%dma_start3A_826 : memref<31488xf32, #tpu.memory_space<vmem_shared>>) target_semaphore(%arg11 : memref<!tpu.dma_semaphore, #tpu.memory_space<semaphore_mem>>)
    %add3A_831 = arith.constant 31488 : i32
    %add3A_832 = arith.addi %mul3A_0, %add3A_831 : i32
    %add3A_833 = arith.constant 0 : i32
    %add3A_834 = arith.addi %add3A_833, %mul3A_0 : i32
    %add3A_835 = arith.constant 31488 : i32
    %add3A_836 = arith.addi %add3A_834, %add3A_835 : i32
    %dma_start3A_837 = tpu.memref_slice %arg6[%add3A_836] : memref<2003200xf32, #tpu.memory_space<vmem_shared>> -> memref<31488xf32, #tpu.memory_space<vmem_shared>>
    %dma_start3A_838 = arith.constant 0 : i32
    %dma_start3A_839 = tpu.memref_slice %arg3[%add3A_823, %dma_start3A_838] : memref<26x1000000xf32, #tpu.memory_space<hbm>> -> memref<1x1000000xf32, #tpu.memory_space<hbm>>
    %dma_start3A_840 = tpu.memref_squeeze %dma_start3A_839 : memref<1x1000000xf32, #tpu.memory_space<hbm>> -> memref<1000000xf32, #tpu.memory_space<hbm>>
    %dma_start3A_841 = tpu.memref_slice %dma_start3A_840[%add3A_832] : memref<1000000xf32, #tpu.memory_space<hbm>> -> memref<31488xf32, #tpu.memory_space<hbm>>
    tpu.enqueue_dma source(%dma_start3A_841 : memref<31488xf32, #tpu.memory_space<hbm>>) target(%dma_start3A_837 : memref<31488xf32, #tpu.memory_space<vmem_shared>>) target_semaphore(%arg11 : memref<!tpu.dma_semaphore, #tpu.memory_space<semaphore_mem>>)
    %mul3A_842 = arith.constant 13 : i32
    %mul3A_843 = arith.muli %arg0, %mul3A_842 : i32
    %add3A_844 = arith.constant 12 : i32
    %add3A_845 = arith.addi %mul3A_843, %add3A_844 : i32
    %mul3A_846 = arith.constant 16384 : i32
    %mul3A_847 = arith.muli %add3A_845, %mul3A_846 : i32
    %mul3A_848 = arith.constant 1024 : i32
    %mul3A_849 = arith.muli %arg1, %mul3A_848 : i32
    %add3A_850 = arith.addi %mul3A_847, %mul3A_849 : i32
    %dma_start3A_851 = tpu.memref_slice %arg2[%add3A_850] : memref<425984xi32, #tpu.memory_space<hbm>> -> memref<1024xi32, #tpu.memory_space<hbm>>
    %dma_start3A_852 = tpu.memref_slice %arg2[%add3A_850] : memref<425984xi32, #tpu.memory_space<hbm>> -> memref<1024xi32, #tpu.memory_space<hbm>>
    tpu.enqueue_dma source(%dma_start3A_852 : memref<1024xi32, #tpu.memory_space<hbm>>) target(%arg7 : memref<1024xi32, #tpu.memory_space<vmem>>) target_semaphore(%arg13 : memref<!tpu.dma_semaphore, #tpu.memory_space<semaphore_mem>>)
    %mul3A_853 = arith.constant 13 : i32
    %mul3A_854 = arith.muli %arg0, %mul3A_853 : i32
    %add3A_855 = arith.constant 11 : i32
    %add3A_856 = arith.addi %mul3A_854, %add3A_855 : i32
    %mul3A_857 = arith.constant 1024 : i32
    %mul3A_858 = arith.muli %arg1, %mul3A_857 : i32
    %dma_wait3A_859 = tpu.memref_slice %arg2[%mul3A_858] : memref<425984xi32, #tpu.memory_space<hbm>> -> memref<1024xi32, #tpu.memory_space<hbm>>
    %dma_wait3A_860 = tpu.memref_slice %arg2[%mul3A_858] : memref<425984xi32, #tpu.memory_space<hbm>> -> memref<1024xi32, #tpu.memory_space<hbm>>
    tpu.wait_dma2 semaphore(%arg13 : memref<!tpu.dma_semaphore, #tpu.memory_space<semaphore_mem>>) src(%dma_wait3A_860 : memref<1024xi32, #tpu.memory_space<hbm>>) dst(%arg8 : memref<1024xi32, #tpu.memory_space<vmem>>)
    %mul3A_861 = arith.constant 128 : i32
    %mul3A_862 = arith.muli %add3A_856, %mul3A_861 : i32
    %add3A_863 = arith.constant 1000000 : i32
    %add3A_864 = arith.addi %add3A_863, %mul3A_862 : i32
    %scan3A_865 = arith.constant 0 : i32
    %scan3A_866 = arith.constant 0 : i32
    %scan3A_867 = arith.constant 64 : i32
    %scan3A_868 = arith.addi %scan3A_866, %scan3A_867 : i32
    %scan3A_869 = arith.constant 1 : i32
    scf.for %scan3A_923 = %scan3A_866 to %scan3A_868 step %scan3A_869  : i32 {
      %mul3A_924 = arith.constant 16 : i32
      %mul3A_925 = arith.muli %scan3A_923, %mul3A_924 : i32
      %multiple_of3A = tpu.assume_multiple %mul3A_925, 16 : i32
      %get3A = arith.index_cast %multiple_of3A : i32 to index
      %get3A_926 = tpu.vector_load %arg8[%get3A] {strides = array<i32>} : memref<1024xi32, #tpu.memory_space<vmem>>, vector<16xi32>,
      %get3A_927 = vector.shape_cast %get3A_926 : vector<16xi32> to vector<16xi32>
      %ge3A = arith.constant 999936 : i32
      %ge3A_928 = vector.broadcast %ge3A : i32 to vector<16xi32>
      %ge3A_929 = arith.cmpi sge, %get3A_927, %ge3A_928 : vector<16xi32>
      %jit3A = arith.constant 999936 : i32
      %broadcast_in_dim3A = vector.broadcast %add3A_864 : i32 to vector<16xi32>
      %broadcast_in_dim3A_930 = vector.broadcast %jit3A : i32 to vector<16xi32>
      %select_n3A = arith.select %ge3A_929, %broadcast_in_dim3A, %broadcast_in_dim3A_930 : vector<16xi1>, vector<16xi32>
      %add3A_931 = arith.addi %get3A_927, %select_n3A : vector<16xi32>
      %swap3A = arith.index_cast %multiple_of3A : i32 to index
      %swap3A_932 = tpu.vector_load %arg8[%swap3A] {strides = array<i32>} : memref<1024xi32, #tpu.memory_space<vmem>>, vector<16xi32>,
      %swap3A_933 = vector.shape_cast %swap3A_932 : vector<16xi32> to vector<16xi32>
      %swap3A_934 = vector.shape_cast %add3A_931 : vector<16xi32> to vector<16xi32>
      tpu.vector_store %arg8[%swap3A], %swap3A_934 {strides = array<i32>} : memref<1024xi32, #tpu.memory_space<vmem>>, vector<16xi32>,
    }
    %scan3A_870 = arith.constant 64 : i32
    %dma_start3A_871 = arith.constant 0 : i32
    %dma_start3A_872 = tpu.memref_slice %arg6[%dma_start3A_871] : memref<2003200xf32, #tpu.memory_space<vmem_shared>> -> memref<2003200xf32, #tpu.memory_space<vmem_shared>>
    tpu.enqueue_indirect_dma source(%dma_start3A_872 : memref<2003200xf32, #tpu.memory_space<vmem_shared>>) target(%arg9 : memref<1024xf32, #tpu.memory_space<vmem>>) offsets(%arg8 : memref<1024xi32, #tpu.memory_space<vmem>>) semaphore(%arg12 : memref<!tpu.dma_semaphore, #tpu.memory_space<semaphore_mem>>)
    %dma_wait3A_873 = arith.constant 0 : i32
    %dma_wait3A_874 = tpu.memref_slice %arg6[%dma_wait3A_873] : memref<2003200xf32, #tpu.memory_space<vmem_shared>> -> memref<2003200xf32, #tpu.memory_space<vmem_shared>>
    tpu.wait_indirect_dma semaphore(%arg12 : memref<!tpu.dma_semaphore, #tpu.memory_space<semaphore_mem>>) src(%dma_wait3A_874 : memref<2003200xf32, #tpu.memory_space<vmem_shared>>) dst(%arg9 : memref<1024xf32, #tpu.memory_space<vmem>>)
    %scan3A_875 = arith.constant 0 : i32
    %scan3A_876 = arith.constant 0 : i32
    %scan3A_877 = arith.constant 64 : i32
    %scan3A_878 = arith.addi %scan3A_876, %scan3A_877 : i32
    %scan3A_879 = arith.constant 1 : i32
    scf.for %scan3A_923 = %scan3A_876 to %scan3A_878 step %scan3A_879  : i32 {
      %mul3A_924 = arith.constant 16 : i32
      %mul3A_925 = arith.muli %scan3A_923, %mul3A_924 : i32
      %multiple_of3A = tpu.assume_multiple %mul3A_925, 16 : i32
      %get3A = arith.index_cast %multiple_of3A : i32 to index
      %get3A_926 = tpu.vector_load %arg10[%get3A] {strides = array<i32>} : memref<1024xf32, #tpu.memory_space<vmem>>, vector<16xf32>,
      %get3A_927 = vector.shape_cast %get3A_926 : vector<16xf32> to vector<16xf32>
      %get3A_928 = arith.index_cast %multiple_of3A : i32 to index
      %get3A_929 = tpu.vector_load %arg9[%get3A_928] {strides = array<i32>} : memref<1024xf32, #tpu.memory_space<vmem>>, vector<16xf32>,
      %get3A_930 = vector.shape_cast %get3A_929 : vector<16xf32> to vector<16xf32>
      %add3A_931 = arith.addf %get3A_927, %get3A_930 : vector<16xf32>
      %swap3A = arith.index_cast %multiple_of3A : i32 to index
      %swap3A_932 = tpu.vector_load %arg10[%swap3A] {strides = array<i32>} : memref<1024xf32, #tpu.memory_space<vmem>>, vector<16xf32>,
      %swap3A_933 = vector.shape_cast %swap3A_932 : vector<16xf32> to vector<16xf32>
      %swap3A_934 = vector.shape_cast %add3A_931 : vector<16xf32> to vector<16xf32>
      tpu.vector_store %arg10[%swap3A], %swap3A_934 {strides = array<i32>} : memref<1024xf32, #tpu.memory_space<vmem>>, vector<16xf32>,
    }
    %scan3A_880 = arith.constant 64 : i32
    %add3A_881 = arith.constant 0 : i32
    %add3A_882 = arith.addi %add3A_881, %mul3A_0 : i32
    %dma_wait3A_883 = arith.constant 0 : i32
    %dma_wait3A_884 = tpu.memref_slice %arg6[%add3A_882] : memref<2003200xf32, #tpu.memory_space<vmem_shared>> -> memref<62976xf32, #tpu.memory_space<vmem_shared>>
    %dma_wait3A_885 = arith.constant 0 : i32
    %dma_wait3A_886 = tpu.memref_slice %arg3[%dma_wait3A_883, %dma_wait3A_885] : memref<26x1000000xf32, #tpu.memory_space<hbm>> -> memref<1x1000000xf32, #tpu.memory_space<hbm>>
    %dma_wait3A_887 = tpu.memref_squeeze %dma_wait3A_886 : memref<1x1000000xf32, #tpu.memory_space<hbm>> -> memref<1000000xf32, #tpu.memory_space<hbm>>
    %dma_wait3A_888 = tpu.memref_slice %dma_wait3A_887[%mul3A_0] : memref<1000000xf32, #tpu.memory_space<hbm>> -> memref<62976xf32, #tpu.memory_space<hbm>>
    tpu.wait_dma2 semaphore(%arg11 : memref<!tpu.dma_semaphore, #tpu.memory_space<semaphore_mem>>) src(%dma_wait3A_888 : memref<62976xf32, #tpu.memory_space<hbm>>) dst(%dma_wait3A_884 : memref<62976xf32, #tpu.memory_space<vmem_shared>>)
    %barrier3A_889 = arith.constant 0 : index
    tpu.barrier barrier_id(%barrier3A_889)
    %mul3A_890 = arith.constant 13 : i32
    %mul3A_891 = arith.muli %arg0, %mul3A_890 : i32
    %add3A_892 = arith.constant 12 : i32
    %add3A_893 = arith.addi %mul3A_891, %add3A_892 : i32
    %mul3A_894 = arith.constant 1024 : i32
    %mul3A_895 = arith.muli %arg1, %mul3A_894 : i32
    %dma_wait3A_896 = tpu.memref_slice %arg2[%mul3A_895] : memref<425984xi32, #tpu.memory_space<hbm>> -> memref<1024xi32, #tpu.memory_space<hbm>>
    %dma_wait3A_897 = tpu.memref_slice %arg2[%mul3A_895] : memref<425984xi32, #tpu.memory_space<hbm>> -> memref<1024xi32, #tpu.memory_space<hbm>>
    tpu.wait_dma2 semaphore(%arg13 : memref<!tpu.dma_semaphore, #tpu.memory_space<semaphore_mem>>) src(%dma_wait3A_897 : memref<1024xi32, #tpu.memory_space<hbm>>) dst(%arg7 : memref<1024xi32, #tpu.memory_space<vmem>>)
    %mul3A_898 = arith.constant 128 : i32
    %mul3A_899 = arith.muli %add3A_893, %mul3A_898 : i32
    %add3A_900 = arith.constant 1000000 : i32
    %add3A_901 = arith.addi %add3A_900, %mul3A_899 : i32
    %scan3A_902 = arith.constant 0 : i32
    %scan3A_903 = arith.constant 0 : i32
    %scan3A_904 = arith.constant 64 : i32
    %scan3A_905 = arith.addi %scan3A_903, %scan3A_904 : i32
    %scan3A_906 = arith.constant 1 : i32
    scf.for %scan3A_923 = %scan3A_903 to %scan3A_905 step %scan3A_906  : i32 {
      %mul3A_924 = arith.constant 16 : i32
      %mul3A_925 = arith.muli %scan3A_923, %mul3A_924 : i32
      %multiple_of3A = tpu.assume_multiple %mul3A_925, 16 : i32
      %get3A = arith.index_cast %multiple_of3A : i32 to index
      %get3A_926 = tpu.vector_load %arg7[%get3A] {strides = array<i32>} : memref<1024xi32, #tpu.memory_space<vmem>>, vector<16xi32>,
      %get3A_927 = vector.shape_cast %get3A_926 : vector<16xi32> to vector<16xi32>
      %ge3A = arith.constant 999936 : i32
      %ge3A_928 = vector.broadcast %ge3A : i32 to vector<16xi32>
      %ge3A_929 = arith.cmpi sge, %get3A_927, %ge3A_928 : vector<16xi32>
      %jit3A = arith.constant 0 : i32
      %broadcast_in_dim3A = vector.broadcast %add3A_901 : i32 to vector<16xi32>
      %broadcast_in_dim3A_930 = vector.broadcast %jit3A : i32 to vector<16xi32>
      %select_n3A = arith.select %ge3A_929, %broadcast_in_dim3A, %broadcast_in_dim3A_930 : vector<16xi1>, vector<16xi32>
      %add3A_931 = arith.addi %get3A_927, %select_n3A : vector<16xi32>
      %swap3A = arith.index_cast %multiple_of3A : i32 to index
      %swap3A_932 = tpu.vector_load %arg7[%swap3A] {strides = array<i32>} : memref<1024xi32, #tpu.memory_space<vmem>>, vector<16xi32>,
      %swap3A_933 = vector.shape_cast %swap3A_932 : vector<16xi32> to vector<16xi32>
      %swap3A_934 = vector.shape_cast %add3A_931 : vector<16xi32> to vector<16xi32>
      tpu.vector_store %arg7[%swap3A], %swap3A_934 {strides = array<i32>} : memref<1024xi32, #tpu.memory_space<vmem>>, vector<16xi32>,
    }
    %scan3A_907 = arith.constant 64 : i32
    %dma_start3A_908 = arith.constant 0 : i32
    %dma_start3A_909 = tpu.memref_slice %arg6[%dma_start3A_908] : memref<2003200xf32, #tpu.memory_space<vmem_shared>> -> memref<2003200xf32, #tpu.memory_space<vmem_shared>>
    tpu.enqueue_indirect_dma source(%dma_start3A_909 : memref<2003200xf32, #tpu.memory_space<vmem_shared>>) target(%arg9 : memref<1024xf32, #tpu.memory_space<vmem>>) offsets(%arg7 : memref<1024xi32, #tpu.memory_space<vmem>>) semaphore(%arg12 : memref<!tpu.dma_semaphore, #tpu.memory_space<semaphore_mem>>)
    %dma_wait3A_910 = arith.constant 0 : i32
    %dma_wait3A_911 = tpu.memref_slice %arg6[%dma_wait3A_910] : memref<2003200xf32, #tpu.memory_space<vmem_shared>> -> memref<2003200xf32, #tpu.memory_space<vmem_shared>>
    tpu.wait_indirect_dma semaphore(%arg12 : memref<!tpu.dma_semaphore, #tpu.memory_space<semaphore_mem>>) src(%dma_wait3A_911 : memref<2003200xf32, #tpu.memory_space<vmem_shared>>) dst(%arg9 : memref<1024xf32, #tpu.memory_space<vmem>>)
    %scan3A_912 = arith.constant 0 : i32
    %scan3A_913 = arith.constant 0 : i32
    %scan3A_914 = arith.constant 64 : i32
    %scan3A_915 = arith.addi %scan3A_913, %scan3A_914 : i32
    %scan3A_916 = arith.constant 1 : i32
    scf.for %scan3A_923 = %scan3A_913 to %scan3A_915 step %scan3A_916  : i32 {
      %mul3A_924 = arith.constant 16 : i32
      %mul3A_925 = arith.muli %scan3A_923, %mul3A_924 : i32
      %multiple_of3A = tpu.assume_multiple %mul3A_925, 16 : i32
      %get3A = arith.index_cast %multiple_of3A : i32 to index
      %get3A_926 = tpu.vector_load %arg10[%get3A] {strides = array<i32>} : memref<1024xf32, #tpu.memory_space<vmem>>, vector<16xf32>,
      %get3A_927 = vector.shape_cast %get3A_926 : vector<16xf32> to vector<16xf32>
      %get3A_928 = arith.index_cast %multiple_of3A : i32 to index
      %get3A_929 = tpu.vector_load %arg9[%get3A_928] {strides = array<i32>} : memref<1024xf32, #tpu.memory_space<vmem>>, vector<16xf32>,
      %get3A_930 = vector.shape_cast %get3A_929 : vector<16xf32> to vector<16xf32>
      %add3A_931 = arith.addf %get3A_927, %get3A_930 : vector<16xf32>
      %swap3A = arith.index_cast %multiple_of3A : i32 to index
      %swap3A_932 = tpu.vector_load %arg10[%swap3A] {strides = array<i32>} : memref<1024xf32, #tpu.memory_space<vmem>>, vector<16xf32>,
      %swap3A_933 = vector.shape_cast %swap3A_932 : vector<16xf32> to vector<16xf32>
      %swap3A_934 = vector.shape_cast %add3A_931 : vector<16xf32> to vector<16xf32>
      tpu.vector_store %arg10[%swap3A], %swap3A_934 {strides = array<i32>} : memref<1024xf32, #tpu.memory_space<vmem>>, vector<16xf32>,
    }
    %scan3A_917 = arith.constant 64 : i32
    %mul3A_918 = arith.constant 16384 : i32
    %mul3A_919 = arith.muli %arg0, %mul3A_918 : i32
    %mul3A_920 = arith.constant 1024 : i32
    %mul3A_921 = arith.muli %arg1, %mul3A_920 : i32
    %add3A_922 = arith.addi %mul3A_919, %mul3A_921 : i32
    "tpu.region"() ({
      %run_scoped3A = tpu.sem_alloc : memref<!tpu.dma_semaphore, #tpu.memory_space<semaphore_mem>>
      %dma_start3A_923 = tpu.memref_slice %arg5[%add3A_922] : memref<32768xf32, #tpu.memory_space<hbm>> -> memref<1024xf32, #tpu.memory_space<hbm>>
      %dma_start3A_924 = tpu.memref_slice %arg5[%add3A_922] : memref<32768xf32, #tpu.memory_space<hbm>> -> memref<1024xf32, #tpu.memory_space<hbm>>
      tpu.enqueue_dma source(%arg10 : memref<1024xf32, #tpu.memory_space<vmem>>) target(%dma_start3A_924 : memref<1024xf32, #tpu.memory_space<hbm>>) target_semaphore(%run_scoped3A : memref<!tpu.dma_semaphore, #tpu.memory_space<semaphore_mem>>)
      %dma_wait3A_925 = tpu.memref_slice %arg5[%add3A_922] : memref<32768xf32, #tpu.memory_space<hbm>> -> memref<1024xf32, #tpu.memory_space<hbm>>
      %dma_wait3A_926 = tpu.memref_slice %arg5[%add3A_922] : memref<32768xf32, #tpu.memory_space<hbm>> -> memref<1024xf32, #tpu.memory_space<hbm>>
      tpu.wait_dma2 semaphore(%run_scoped3A : memref<!tpu.dma_semaphore, #tpu.memory_space<semaphore_mem>>) src(%arg10 : memref<1024xf32, #tpu.memory_space<vmem>>) dst(%dma_wait3A_926 : memref<1024xf32, #tpu.memory_space<hbm>>)
      tpu.yield
    }) : () -> ()
    return
  }
}

module attributes {stable_mosaic.version = 14 : i64} {
  func.func @_combine_body(%arg0: memref<2x16384xf32, #tpu.memory_space<vmem>>, %arg1: memref<1x16384xf32, #tpu.memory_space<vmem>>) attributes {dimension_semantics = [], scalar_prefetch = 0 : i64, scratch_operands = 0 : i64, tpu.core_type = #tpu.core_type<tc>} {
    %get3A = arith.constant 0 : index
    %get3A_0 = arith.constant 0 : index
    %get3A_1 = vector.load %arg0[%get3A, %get3A_0] : memref<2x16384xf32, #tpu.memory_space<vmem>>, vector<2x16384xf32>
    %reduce_sum3A = arith.constant dense<0.000000e+00> : vector<16384xf32>
    %reduce_sum3A_2 = vector.multi_reduction <add>, %get3A_1, %reduce_sum3A [0] : vector<2x16384xf32> to vector<16384xf32>
    %broadcast_in_dim3A = vector.shape_cast %reduce_sum3A_2 : vector<16384xf32> to vector<1x16384xf32>
    %neg3A = arith.constant 0.000000e+00 : f32
    %neg3A_3 = vector.broadcast %neg3A : f32 to vector<1x16384xf32>
    %neg3A_4 = arith.subf %neg3A_3, %broadcast_in_dim3A : vector<1x16384xf32>
    %exp3A = math.exp %neg3A_4 : vector<1x16384xf32>
    %add3A = arith.constant 1.000000e+00 : f32
    %add3A_5 = vector.broadcast %add3A : f32 to vector<1x16384xf32>
    %add3A_6 = arith.addf %add3A_5, %exp3A : vector<1x16384xf32>
    %div3A = arith.constant 1.000000e+00 : f32
    %div3A_7 = vector.broadcast %div3A : f32 to vector<1x16384xf32>
    %div3A_8 = arith.divf %div3A_7, %add3A_6 : vector<1x16384xf32>
    %swap3A = arith.constant 0 : index
    %swap3A_9 = arith.constant 0 : index
    %swap3A_10 = vector.load %arg1[%swap3A, %swap3A_9] : memref<1x16384xf32, #tpu.memory_space<vmem>>, vector<1x16384xf32>
    tpu.vector_store %arg1[%swap3A, %swap3A_9], %div3A_8 {strides = array<i32>} : memref<1x16384xf32, #tpu.memory_space<vmem>>, vector<1x16384xf32>,
    return
  }
}

</mosaic_0001>

<sc_bundles>
// kernel: kernel.4.cloned.1.call-start
scs
__scs_entry_jumppad:
0x0: {  	(pc) =	sbr.rel $0x88, $3  }
0x1: {  	(tag) =	ssettag $0x0;
	lr =	simm.s32 $0x1  }
0x2: {  	[smem:$0x3F9F] =	sst lr;
	_ =	strace $0xD0000000  }
0x3: {  	_ = 	snop  }
0x4: {  	_ = 	snop  }
0x5: {  	_ = 	snop  }
0x6: {  	_ = 	snop  }
0x7: {  	_ = 	snop  }
__scs_overlays_trampoline_lowered:
0x8: {  	[smem:$0x3FAE] =	sst s0  }
0x9: {  	[smem:$0x3FAF] =	sst s1  }
0xa: {  	[smem:$0x3FB0] =	sst s2  }
0xb: {  	[smem:$0x3FB1] =	sst s3  }
0xc: {  	[smem:$0x3FB2] =	sst s4  }
0xd: {  	[smem:$0x3FB3] =	sst s5  }
0xe: {  	[smem:$0x3FB4] =	sst s6  }
0xf: {  	[smem:$0x3FB5] =	sst s7  }
0x10: {  	[smem:$0x3FB6] =	sst s8  }
0x11: {  	[smem:$0x3FB7] =	sst s9;
	s0 =	simm.s32 @!p0 $0x0  }
0x12: {  	s1 =	sld [smem:$0x3F9D];
	s0 =	simm.s32 @p0 $0x1  }
0x13: {  	[smem:$0x3FB8] =	sst s0;
	s0 =	simm.s32 @!p1 $0x0  }
0x14: {  	s2 =	sld [smem:$0x3F9C];
	s0 =	simm.s32 @p1 $0x1  }
0x15: {  	[smem:$0x3FB9] =	sst s0;
	s0 =	simm.s32 @!p2 $0x0  }
0x16: {  	s3 =	sld [smem:$0x3FDB];
	s0 =	simm.s32 @p2 $0x1  }
0x17: {  	s4 =	simm.s32 $0x1BF5;
	[smem:$0x3FBB] =	sst s0  }
0x18: {  	s0 =	sld [smem:$0x3F9E];
	_ =	swait.ge [sflag:s4], $0x0  }
0x19: {  	s7 =	sld [smem:$0x3F9F]  }
0x1a: {  	s8 =	sadd.s32 $0xFFFFE003, lr  }
0x1b: {  	s9 =	sadd.s32 $0xFFFFFEF7, lr;
	s5 =	simm.s32 $0xFFFFFFFF;
	p2 =	slt.u32 s8, $0xFFFFF086  }
0x1c: {  	p1 =	slt.u32 s9, $0xF7A;
	s5 =	simm.s32 @!p2 $0x0  }
0x1d: {  	s5 =	simm.s32 @p1 $0x1;
	p0 =	seq.s32 s7, s2  }
0x1e: {  	s7 =	smul.u32 @!p0 $0xF7A, s2;
	p2 =	seq.s32 @!p0 s5, $0x0  }
0x1f: {  	s9 =	smul.u32 $0xF7A, s1;
	s8 =	simm.s32 @!p0 $0x1BF5;
	p2 =	por !p2, p0  }
0x20: {  	[sflag:s8] =	ssyncset.s32 @!p0 $0xFFFFF086;
	s6 =	sadd.s32 @!p0 s3, s7;
	s7 =	simm.s32 @!p0 $0x108  }
0x21: {  	s3 =	sadd.s32 s3, s9;
	s6 =	sadd.s32 @!p0 $0x88, s6;
	s7 =	simm.s32 @p2 $0x1082  }
0x22: {  	[simem:s7], [sflag:s8] =	dma.local @!p0 [hbm:s6], $0xF7A  }
0x23: {  	s9 =	sor.u32 $0xD0000000, s2;
	s6 =	simm.s32 $0x108;
	_ =	swait.ge @!p0 [sflag:s8], $0x0  }
0x24: {  	s3 =	sadd.s32 $0x88, s3;
	s6 =	simm.s32 @!p1 $0x1082;
	[sflag:s4] =	ssyncset.s32 $0xFFFFF086  }
0x25: {  	[simem:s6], [sflag:s4] =	dma.local [hbm:s3], $0xF7A  }
0x26: {  	[smem:$0x3F9F] =	sst s1;
	(tag) =	ssettag s2;
	_ =	strace s9  }
0x27: {  	s1 =	sld [smem:$0x3FAF]  }
0x28: {  	s2 =	sld [smem:$0x3FB0]  }
0x29: {  	s4 =	sld [smem:$0x3FB2]  }
0x2a: {  	p0 =	seq.s32 s5, $0x0;
	s5 =	sld [smem:$0x3FB3]  }
0x2b: {  	s6 =	sld [smem:$0x3FB4]  }
0x2c: {  	s7 =	sld [smem:$0x3FB5]  }
0x2d: {  	s3 =	simm.s32 $0x108;
	s8 =	sld [smem:$0x3FB6]  }
0x2e: {  	s3 =	simm.s32 @!p0 $0x1082;
	s9 =	sld [smem:$0x3FB7]  }
0x2f: {  	lr =	sadd.s32 s0, s3;
	s0 =	sld [smem:$0x3FAE]  }
0x30: {  	s3 =	sld [smem:$0x3FB1]  }
0x31: {  	[smem:$0x3FBA] =	sst s10  }
0x32: {  	s10 =	sld [smem:$0x3FB8];
	_ =	sdelay $0x3  }
0x33: {  	p0 =	seq.s32 s10, $0x1;
	s10 =	sld [smem:$0x3FBA];
	_ =	sdelay $0x3  }
0x34: {  	[smem:$0x3FBA] =	sst s10  }
0x35: {  	s10 =	sld [smem:$0x3FB9];
	_ =	sdelay $0x3  }
0x36: {  	p1 =	seq.s32 s10, $0x1;
	s10 =	sld [smem:$0x3FBA];
	_ =	sdelay $0x3  }
0x37: {  	[smem:$0x3FBA] =	sst s10  }
0x38: {  	s10 =	sld [smem:$0x3FBB]  }
0x39: {  	_ = 	snop;
	(pc) =	sbr.ind lr, $3  }
0x3a: {  	_ = 	snop  }
0x3b: {  	_ = 	snop  }
0x3c: {  	p2 =	seq.s32 s10, $0x1;
	s10 =	sld [smem:$0x3FBA]  }
0x3d: {  	_ =	shalt  }
0x3e: {  	_ =	shalt  }
0x3f: {  	_ =	shalt  }
0x40: {  	_ =	shalt  }
0x41: {  	_ =	shalt  }
0x42: {  	_ =	shalt  }
0x43: {  	_ =	shalt  }
0x44: {  	_ =	shalt  }
0x45: {  	_ =	shalt  }
0x46: {  	_ =	shalt  }
0x47: {  	_ =	shalt  }
0x48: {  	_ =	shalt  }
0x49: {  	_ =	shalt  }
0x4a: {  	_ =	shalt  }
0x4b: {  	_ =	shalt  }
0x4c: {  	_ =	shalt  }
0x4d: {  	_ =	shalt  }
0x4e: {  	_ =	shalt  }
0x4f: {  	_ =	shalt  }
0x50: {  	_ =	shalt  }
0x51: {  	_ =	shalt  }
0x52: {  	_ =	shalt  }
0x53: {  	_ =	shalt  }
0x54: {  	_ =	shalt  }
0x55: {  	_ =	shalt  }
0x56: {  	_ =	shalt  }
0x57: {  	_ =	shalt  }
0x58: {  	_ =	shalt  }
0x59: {  	_ =	shalt  }
0x5a: {  	_ =	shalt  }
0x5b: {  	_ =	shalt  }
0x5c: {  	_ =	shalt  }
0x5d: {  	_ =	shalt  }
0x5e: {  	_ =	shalt  }
0x5f: {  	_ =	shalt  }
0x60: {  	_ =	shalt  }
0x61: {  	_ =	shalt  }
0x62: {  	_ =	shalt  }
0x63: {  	_ =	shalt  }
0x64: {  	_ =	shalt  }
0x65: {  	_ =	shalt  }
0x66: {  	_ =	shalt  }
0x67: {  	_ =	shalt  }
0x68: {  	_ =	shalt  }
0x69: {  	_ =	shalt  }
0x6a: {  	_ =	shalt  }
0x6b: {  	_ =	shalt  }
0x6c: {  	_ =	shalt  }
0x6d: {  	_ =	shalt  }
0x6e: {  	_ =	shalt  }
0x6f: {  	_ =	shalt  }
0x70: {  	_ =	shalt  }
0x71: {  	_ =	shalt  }
0x72: {  	_ =	shalt  }
0x73: {  	_ =	shalt  }
0x74: {  	_ =	shalt  }
0x75: {  	_ =	shalt  }
0x76: {  	_ =	shalt  }
0x77: {  	_ =	shalt  }
0x78: {  	_ =	shalt  }
0x79: {  	_ =	shalt  }
0x7a: {  	_ =	shalt  }
0x7b: {  	_ =	shalt  }
0x7c: {  	_ =	shalt  }
0x7d: {  	_ =	shalt  }
0x7e: {  	_ =	shalt  }
0x7f: {  	_ =	shalt  }
0x80: {  	_ =	shalt  }
0x81: {  	_ =	shalt  }
0x82: {  	_ =	shalt  }
0x83: {  	_ =	shalt  }
0x84: {  	_ =	shalt  }
0x85: {  	_ =	shalt  }
0x86: {  	_ =	shalt  }
0x87: {  	_ =	shalt  }
.Lfunc_end0:
.L_simem_size_0:
called_computation_lowered:
.L_overlay_start_0:
0x88: {  	s2 =	sld [smem:$0x3FD9]  }
0x89: {  	s3 =	sld [smem:$0x3FFE];
	_ =	sdelay $0x1  }
0x8a: {  	s1 =	srdreg.scid  }
0x8b: {  	s0 =	sand.u32 $0x1, s1  }
0x8c: {  	s17 =	sshll.u32 s0, $0xA;
	s2 =	sadd.s32 s3, s2  }
0x8d: {  	s2 =	sadd.s32 s2, s17  }
0x8e: {  	[smem:$0x3FC6] =	sst s2  }
0x8f: {  	_ = 	snop  }
0x90: {  	s2 =	sld [smem:$0x3FC8]  }
0x91: {  	s18 =	sld [smem:$0x3FD0];
	(tm) =	ssettm $0x1  }
0x92: {  	s4 =	sld [smem:$0x3FFB];
	_ =	sdelay $0x3  }
0x93: {  	_ =	strace s4  }
0x94: {  	s4 =	sld [smem:$0x3FFC];
	_ =	sdelay $0x3  }
0x95: {  	_ =	strace s4  }
0x96: {  	s4 =	sld [smem:$0x3FFD];
	_ =	sdelay $0x3  }
0x97: {  	_ =	strace s4  }
0x98: {  	_ =	strace $0x8FFFFFFF  }
0x99: {  	s19 =	sld [smem:$0x3FDB];
	_ =	sdelay $0x1  }
0x9a: {  	s5 =	simm.s32 $_scs_section_size  }
0x9b: {  	s6 =	simm.s32 $_size__tile_overlayer_lowered;
	s7 =	simm.s32 $_tile_overlayer_lowered  }
0x9c: {  	s22 =	simm.s32 $0x1BFF;
	s21 =	sshll.u32 s7, $0x1;
	s4 =	sadd.s32 s5, s19  }
0x9d: {  	s8 =	simm.s32 $0x0;
	s20 =	sshll.u32 s6, $0x1;
	s6 =	sadd.s32 s21, s4  }
0x9e: {  	[timem:s8], [sflag:s22] =	dma.local [hbm:s6], s20  }
0x9f: {  	_ =	swait.ge [sflag:s22], s20  }
0xa0: {  	s5 =	ssub.s32 $0x0, s20;
	[sflag:s22] =	ssyncset.done $0x0  }
0xa1: {  	[sflag:s22] =	ssyncadd.s32 s5;
	_ =	sdelay $0x1  }
0xa2: {  	s23 =	simm.s32 $0x1B8B  }
0xa3: {  	_ =	swait.ge [sflag:s23], $0x1  }
0xa4: {  	[sflag:s23] =	ssyncset.done $0x0  }
0xa5: {  	s25 =	simm.s32 $0x1B8E;
	s24 =	sld [smem:$0x3FFE];
	[sflag:s23] =	ssyncadd.s32 $0xFFFFFFFF  }
0xa6: {  	s26 =	simm.s32 $execute0_lowered;
	[smem:$0x3FD2] =	sst s25  }
0xa7: {  	s6 =	sshll.u32 s26, $0x1;
	_ =	strace $0x80000046;
	[dreg:$0x1] =	wrdreg $0xFFFFFFFF  }
0xa8: {  	s28 =	simm.s32 $_size_execute0_lowered;
	s4 =	sadd.s32 s4, s6;
	[dreg:$0x0] =	wrdreg $0x0  }
0xa9: {  	s6 =	sshll.u32 s28, $0x1;
	[dreg:$0x2] =	wrdreg s4  }
0xaa: {  	[dreg:$0x3] =	wrdreg s6  }
0xab: {  	[dreg:$0x4] =	wrdreg $0xC0  }
0xac: {  	_ =	task [dreg:s8], $0x5FFFF  }
0xad: {  	[dreg:$0x1] =	wrdreg $0xFFFFFFFF  }
0xae: {  	[dreg:$0x0] =	wrdreg $0x60  }
0xaf: {  	[dreg:$0x2] =	wrdreg s24  }
0xb0: {  	[dreg:$0x3] =	wrdreg s2  }
0xb1: {  	[dreg:$0x4] =	wrdreg s18  }
0xb2: {  	[dreg:$0x5] =	wrdreg $0x0  }
0xb3: {  	[dreg:$0x6] =	wrdreg $0x9  }
0xb4: {  	_ =	task.clear_ibuf [dreg:s8], $0x7FFFF;
	_ =	strace $0x90000046  }
0xb5: {  	s29 =	simm.s32 $0x9;
	_ =	strace $0x80000048  }
0xb6: {  	_ =	swait.ge [sflag:s29], $0x1  }
0xb7: {  	[sflag:s29] =	ssyncadd.s32 $0xFFFFFFFF  }
0xb8: {  	_ =	strace $0x90000048  }
0xb9: {  	_ =	sfence  }
0xba: {  	s30 =	sld [smem:$0x0];
	_ =	sdelay $0x2  }
0xbb: {  	s31 =	sshll.u32 s1, $0xD;
	s1 =	sshrl.u32 s1, $0x2  }
0xbc: {  	s3 =	sand.u32 $0x4000, s31;
	s1 =	sadd.s32 s1, s30  }
0xbd: {  	s0 =	sor.u32 s3, s0;
	s1 =	sshll.u32 s1, $0x11  }
0xbe: {  	s0 =	sor.u32 s1, s0  }
0xbf: {  	s0 =	sadd.s32 $0x8F2B, s0  }
0xc0: {  	[sflag:s0] =	ssyncadd.remote.s32 $0x1  }
0xc1: {  	_ =	sfence.sel $0xFFFF  }
0xc2: {  	[dreg:$0x0] =	wrdreg $0xFFFFFFFF;
	(pc) =	sbr.abs _section_cstart, $3  }
0xc3: {  	[dreg:$0x1] =	wrdreg $0xFFFFFFFF  }
0xc4: {  	_ =	task.clear_ibuf [dreg:s8], $0x2FFFF;
	_ =	strace $0x9FFFFFFF  }
0xc5: {  	(tm) =	ssettm $0x7FFFFFFF  }
tec
execute0_lowered:
.L_overlay_start_1:
0x0: {  	(tag) =	ssettag $0x1  }
0x1: {  	s0 =	srdreg.scid;
	s3 =	stileid.u32  }
0x2: {  	s22 =	sand.u32 $0x1, s0;
	s4 =	smul.u32 $0xD0, s3  }
0x3: {  	s8 =	rddreg [dreg:$0x2];
	s0 =	ssub.s32 $0x2, s22;
	s1 =	smul.u32 $0xD, s22  }
0x4: {  	s2 =	sshrl.u32 s0, $0x1;
	[smem:$0x7F2] =	sst s4;
	s10 =	sshrl.u32 s4, $0x3  }
0x5: {  	s0 =	ssub.s32 s0, s2;
	s9 =	sshrl.u32 s1, $0x3;
	s25 =	sadd.s32 $0x1, s1  }
0x6: {  	s2 =	sadd.s32 s8, s10;
	s29 =	sadd.s32 $0x2, s1;
	s30 =	sadd.s32 $0x3, s1  }
0x7: {  	s31 =	sadd.s32 $0x4, s1;
	[dreg:$0x1f] =	wrdreg s0;
	s0 =	smul.u32 $0x7A1400, s9  }
0x8: {  	[dreg:$0x5] =	wrdreg s2;
	s11 =	sshrl.u32 s25, $0x3;
	s12 =	sshll.u32 s25, $0x7  }
0x9: {  	s13 =	sshrl.u32 s29, $0x3;
	s5 =	sshll.u32 s29, $0x7;
	s15 =	sshrl.u32 s30, $0x3  }
0xa: {  	s16 =	sshll.u32 s30, $0x7;
	s17 =	sshrl.u32 s31, $0x3;
	s18 =	sshll.u32 s31, $0x7  }
0xb: {  	s25 =	sshll.u32 s25, $0xE;
	s2 =	smul.u32 $0x7A1400, s11;
	[smem:$0x7F3] =	sst s12  }
0xc: {  	s4 =	sand.u32 $0x380, s12;
	s3 =	smul.u32 $0x7A1400, s13;
	[smem:$0x7F4] =	sst s5  }
0xd: {  	s14 =	sand.u32 $0x380, s5;
	[smem:$0x7F5] =	sst s16;
	s6 =	sand.u32 $0x380, s16  }
0xe: {  	s5 =	smul.u32 $0x7A1400, s17;
	[smem:$0x7F6] =	sst s18;
	s19 =	sand.u32 $0x380, s18  }
0xf: {  	s18 =	sadd.s32 $0x5, s1;
	s17 =	sadd.s32 $0x7, s1;
	s11 =	sadd.s32 $0x8, s1  }
0x10: {  	s16 =	sadd.s32 $0x9, s1;
	s13 =	sadd.s32 $0xB, s1;
	s20 =	sshrl.u32 s18, $0x3  }
0x11: {  	s21 =	sshll.u32 s18, $0x7;
	s8 =	sshrl.u32 s17, $0x3;
	[smem:$0x7F1] =	sst s11  }
0x12: {  	s11 =	sshrl.u32 s11, $0x3;
	s26 =	sshll.u32 s17, $0x7;
	s12 =	sshrl.u32 s16, $0x3  }
0x13: {  	s18 =	sshll.u32 s18, $0xE;
	s17 =	sshll.u32 s17, $0xE;
	s23 =	sor.u32 s4, s2  }
0x14: {  	s28 =	sor.u32 s14, s3;
	s4 =	smul.u32 $0x7A1400, s15;
	s5 =	sor.u32 s19, s5  }
0x15: {  	s19 =	sadd.s32 $0x6, s1;
	[smem:$0x7F7] =	sst s21;
	s8 =	smul.u32 $0x7A1400, s8  }
0x16: {  	s9 =	sand.u32 $0x380, s21;
	[smem:$0x7F9] =	sst s26;
	s2 =	sand.u32 $0x380, s26  }
0x17: {  	s15 =	sadd.s32 $0xA, s1;
	s3 =	smul.u32 $0x7A1400, s12;
	s21 =	sadd.s32 $0xC, s1  }
0x18: {  	s7 =	sshrl.u32 s19, $0x3;
	s24 =	sshll.u32 s19, $0x7;
	s26 =	sshrl.u32 s15, $0x3  }
0x19: {  	s23 =	sshrl.u32 s23, $0x3;
	s4 =	sor.u32 s6, s4;
	s6 =	smul.u32 $0x7A1400, s20  }
0x1a: {  	s5 =	sshrl.u32 s5, $0x3;
	s19 =	sshll.u32 s19, $0xE;
	s7 =	smul.u32 $0x7A1400, s7  }
0x1b: {  	[smem:$0x7F8] =	sst s24;
	s10 =	sand.u32 $0x380, s24;
	s8 =	sor.u32 s2, s8  }
0x1c: {  	s12 =	smul.u32 $0x7A1400, s26;
	s2 =	sshll.u32 s16, $0x7;
	s20 =	sshrl.u32 s13, $0x3  }
0x1d: {  	s26 =	sshrl.u32 s21, $0x3;
	s16 =	sshll.u32 s16, $0xE;
	s20 =	smul.u32 $0x7A1400, s20  }
0x1e: {  	[smem:$0x7FA] =	sst s2;
	s6 =	sor.u32 s9, s6;
	s9 =	smul.u32 $0x7A1400, s11  }
0x1f: {  	s24 =	sand.u32 $0x380, s2;
	s7 =	sor.u32 s10, s7;
	s10 =	smul.u32 $0x280, s22  }
0x20: {  	s4 =	sshrl.u32 s4, $0x3;
	s11 =	smul.u32 $0x7A1400, s26;
	s26 =	sshll.u32 s13, $0x7  }
0x21: {  	s8 =	sshrl.u32 s8, $0x3;
	s13 =	sshll.u32 s13, $0xE;
	s2 =	sand.u32 $0x380, s26  }
0x22: {  	s6 =	sshrl.u32 s6, $0x3;
	s7 =	sshrl.u32 s7, $0x3;
	s14 =	sor.u32 s10, s0  }
0x23: {  	s9 =	sor.u32 s10, s9;
	s10 =	sor.u32 s24, s3;
	s3 =	sshll.u32 s15, $0x7  }
0x24: {  	s24 =	sshll.u32 s21, $0x7;
	s15 =	sshll.u32 s15, $0xE;
	[smem:$0x7FB] =	sst s3  }
0x25: {  	s21 =	sshll.u32 s21, $0xE;
	[smem:$0x7FC] =	sst s24;
	s1 =	sand.u32 $0x380, s3  }
0x26: {  	s24 =	sand.u32 $0x380, s24;
	s9 =	sshrl.u32 s9, $0x3;
	s10 =	sshrl.u32 s10, $0x3  }
0x27: {  	s0 =	sor.u32 s1, s12;
	s1 =	sor.u32 s2, s20;
	s2 =	sor.u32 s24, s11  }
0x28: {  	s20 =	sshrl.u32 s14, $0x3;
	s14 =	rddreg [dreg:$0x1];
	s12 =	sshrl.u32 s28, $0x3  }
0x29: {  	s28 =	sshll.u32 s30, $0xE;
	s24 =	sadd.s32 s14, s20;
	s3 =	sadd.s32 s14, s23  }
0x2a: {  	s11 =	sadd.s32 s14, s12;
	s4 =	sadd.s32 s14, s4;
	s5 =	sadd.s32 s14, s5  }
0x2b: {  	s6 =	sadd.s32 s14, s6;
	s7 =	sadd.s32 s14, s7;
	s8 =	sadd.s32 s14, s8  }
0x2c: {  	s9 =	sadd.s32 s14, s9;
	s0 =	sshrl.u32 s0, $0x3;
	[dreg:$0x6] =	wrdreg s3  }
0x2d: {  	s10 =	sadd.s32 s14, s10;
	s20 =	sshrl.u32 s1, $0x3;
	[dreg:$0x7] =	wrdreg s11  }
0x2e: {  	s23 =	sshrl.u32 s2, $0x3;
	s2 =	stileid.u32;
	[dreg:$0x8] =	wrdreg s4  }
0x2f: {  	s11 =	sadd.s32 s14, s0;
	s12 =	sadd.s32 s14, s20;
	s4 =	simm.s32 $0x0  }
0x30: {  	s1 =	sshll.u32 s2, $0xA;
	s3 =	sshll.u32 s22, $0xE;
	s20 =	smul.u32 $0x34000, s22  }
0x31: {  	s14 =	sadd.s32 s14, s23;
	s0 =	sor.u32 s1, s3;
	s3 =	sshll.u32 s29, $0xE  }
0x32: {  	s23 =	sor.u32 s1, s25;
	s28 =	sor.u32 s1, s28;
	s29 =	sshll.u32 s31, $0xE  }
0x33: {  	s18 =	sor.u32 s1, s18;
	s2 =	sor.u32 s1, s20;
	s20 =	sld [smem:$0x7F1]  }
0x34: {  	s19 =	sor.u32 s1, s19;
	s17 =	sor.u32 s1, s17;
	s16 =	sor.u32 s1, s16  }
0x35: {  	s15 =	sor.u32 s1, s15;
	s25 =	sor.u32 s1, s3;
	s29 =	sor.u32 s1, s29  }
0x36: {  	s3 =	sor.u32 s1, s13;
	s0 =	sshrl.u32 s0, $0x3;
	s30 =	sshll.u32 s20, $0xE  }
0x37: {  	s30 =	sor.u32 s1, s30;
	s1 =	sor.u32 s1, s21;
	s21 =	rddreg [dreg:$0x0]  }
0x38: {  	s2 =	sshrl.u32 s2, $0x3;
	s31 =	sadd.s32 s0, s21;
	s0 =	sadd.s32 $0x400, s21  }
0x39: {  	[smem:$0x7FF] =	sst s4;
	s25 =	sshrl.u32 s25, $0x3;
	s2 =	sadd.s32 s0, s2  }
0x3a: {  	s23 =	sshrl.u32 s23, $0x3;
	s13 =	sadd.s32 s0, s25;
	[dreg:$0x9] =	wrdreg s2  }
0x3b: {  	s16 =	sshrl.u32 s16, $0x3;
	s25 =	sshrl.u32 s18, $0x3;
	[dreg:$0xb] =	wrdreg s13  }
0x3c: {  	s2 =	sadd.s32 s0, s23;
	s23 =	sshrl.u32 s29, $0x3;
	s29 =	rddreg [dreg:$0x3]  }
0x3d: {  	s21 =	sshrl.u32 s28, $0x3;
	s18 =	sadd.s32 s0, s25;
	[dreg:$0xa] =	wrdreg s2  }
0x3e: {  	s25 =	sshrl.u32 s30, $0x3;
	s2 =	sadd.s32 s0, s21;
	[dreg:$0xe] =	wrdreg s18  }
0x3f: {  	s3 =	sshrl.u32 s3, $0x3;
	s13 =	sadd.s32 s0, s25;
	[dreg:$0xc] =	wrdreg s2  }
0x40: {  	s1 =	sshrl.u32 s1, $0x3;
	s18 =	sadd.s32 s0, s3;
	[dreg:$0x11] =	wrdreg s13  }
0x41: {  	s21 =	sshrl.u32 s19, $0x3;
	s2 =	sadd.s32 s0, s23;
	[dreg:$0x14] =	wrdreg s18  }
0x42: {  	s23 =	sshrl.u32 s17, $0x3;
	[dreg:$0xd] =	wrdreg s2;
	s2 =	sadd.s32 s0, s21  }
0x43: {  	s19 =	stileid.u32;
	[dreg:$0xf] =	wrdreg s2;
	s2 =	sadd.s32 s0, s23  }
0x44: {  	s17 =	sshrl.u32 s15, $0x3;
	[dreg:$0x10] =	wrdreg s2;
	s2 =	sadd.s32 s0, s16  }
0x45: {  	s30 =	smul.u32 $0xF400, s19;
	[dreg:$0x12] =	wrdreg s2;
	s2 =	sadd.s32 s0, s17  }
0x46: {  	s0 =	sadd.s32 s0, s1;
	[dreg:$0x13] =	wrdreg s2  }
0x47: {  	s23 =	sadd.s32 s30, s24;
	[dreg:$0x15] =	wrdreg s0;
	s0 =	sadd.s32 $0x7B00, s30  }
0x48: {  	_ =	strace $0x80000047;
	[dreg:$0x16] =	wrdreg s23;
	s24 =	sadd.s32 s0, s24  }
0x49: {  	[dreg:$0x17] =	wrdreg s24  }
0x4a: {  	s3 =	sld [smem:$0x7F2]  }
0x4b: {  	s13 =	sld [smem:$0x7F3]  }
0x4c: {  	s15 =	sld [smem:$0x7F4]  }
0x4d: {  	s16 =	sld [smem:$0x7F5]  }
0x4e: {  	s17 =	sld [smem:$0x7F6]  }
0x4f: {  	s22 =	smul.u32 $0x680, s22;
	s18 =	sld [smem:$0x7F7]  }
0x50: {  	s21 =	sshll.u32 s19, $0x6;
	s19 =	sld [smem:$0x7F8]  }
0x51: {  	s1 =	sadd.s32 $0xF4240, s22;
	s22 =	sld [smem:$0x7F9]  }
0x52: {  	s23 =	sld [smem:$0x7FA]  }
0x53: {  	s24 =	sld [smem:$0x7FB];
	s2 =	sadd.s32 s3, s29;
	s3 =	sadd.s32 $0xF4240, s15  }
0x54: {  	s15 =	sadd.s32 $0xF4240, s17;
	s17 =	sadd.s32 $0xF4240, s19;
	s19 =	sadd.s32 $0xF4240, s22  }
0x55: {  	s22 =	sadd.s32 $0xF4240, s26;
	s26 =	sld [smem:$0x7FC];
	s2 =	sadd.s32 $0x1E8400, s2  }
0x56: {  	s25 =	sor.u32 $0x1C01, s21;
	s21 =	sshll.u32 s20, $0x7;
	[dreg:$0x18] =	wrdreg s2  }
0x57: {  	s2 =	sadd.s32 $0xF4240, s13;
	s13 =	sadd.s32 $0xF4240, s16;
	s16 =	sadd.s32 $0xF4240, s18  }
0x58: {  	s18 =	sadd.s32 $0xF4240, s21;
	s21 =	sadd.s32 $0xF4240, s24;
	s24 =	sadd.s32 $0xD400, s31  }
0x59: {  	s28 =	simm.s32 $0x1E910;
	v0 =	vmov s1;
	s1 =	simm.s32 $0x4;
	[dreg:$0x19] =	wrdreg s24  }
0x5a: {  	s20 =	sadd.s32 $0xF4240, s23;
	s23 =	sadd.s32 $0xF4240, s26;
	s26 =	rddreg [dreg:$0x1f]  }
0x5b: {  	v4 =	vmov s15;
	s15 =	simm.s32 $0x1ED10;
	s24 =	sadd.s32 s0, s29;
	[smem:$0x7FD] =	sst s23  }
0x5c: {  	v6 =	vmov s17;
	s17 =	simm.s32 $0x400;
	s23 =	smax.u32 s26, $0x1;
	[dreg:$0x1c] =	wrdreg s24  }
0x5d: {  	v9 =	vmov s20;
	s20 =	simm.s32 $0x0;
	s31 =	simm.s32 $0x1F110;
	[dreg:$0x1a] =	wrdreg s23  }
0x5e: {  	v11 =	vmov s22;
	v5 =	vmov s16;
	s16 =	simm.s32 $0x3;
	s23 =	sadd.s32 s30, s29;
	s22 =	sld [smem:$0x7FD]  }
0x5f: {  	v13 =	vimm.f32 $0.0e+00;
	v8 =	vmov s18;
	s18 =	simm.s32 $0x2;
	s26 =	sadd.s32 $0xF4200, s23;
	[dreg:$0x1b] =	wrdreg s23  }
0x60: {  	v2 =	vmov s3;
	v7 =	vmov s19;
	v1 =	vmov s2;
	s24 =	simm.s32 $0x10;
	s2 =	sadd.s32 $0xFBD00, s23;
	[dreg:$0x1d] =	wrdreg s26  }
0x61: {  	v3 =	vmov s13;
	v10 =	vmov s21;
	s23 =	simm.s32 $0x1;
	[dreg:$0x1e] =	wrdreg s2;
	s26 =	simm.s32 $0x80;
	v12 =	vmov s22  }
.LBB2_1:
0x62: {  	s2 =	rddreg [dreg:$0x1b]  }
0x63: {  	s22 =	rddreg [dreg:$0x16];
	s21 =	sshrl.u32 s2, $0x3  }
0x64: {  	[spmem:s21@s24], [sflag:s25] =	dma.strided [hbm:s22@s26], $0xF60, s23, $0x10   }
0x65: {  	s2 =	rddreg [dreg:$0x1c]  }
0x66: {  	s3 =	rddreg [dreg:$0x17];
	s22 =	sshrl.u32 s2, $0x3  }
0x67: {  	[spmem:s22@s24], [sflag:s25] =	dma.strided [hbm:s3@s26], $0xF60, s23, $0x10   }
0x68: {  	s2 =	rddreg [dreg:$0x9]  }
0x69: {  	[tilespmem:s28], [sflag:$0x3] =	stream.linear.gather [hbm4b:s2+s4], $0x400, $0x38;
	[tilespmem:$0x1F910] =	vst v63  }
0x6a: {  	s13 =	rddreg [dreg:$0x5]  }
0x6b: {  	[tilespmem:s31], [sflag:$0x4] =	stream.linear.gather [hbm4b:s13+s4], $0xD0, $0x38;
	[tilespmem:$0x1F910] =	vst v63  }
0x6c: {  	_ =	swait.ge [sflag:s1], $0xD0  }
0x6d: {  	[sflag:s1] =	ssyncset.done $0x0  }
0x6e: {  	s19 =	rddreg [dreg:$0x18];
	[sflag:s1] =	ssyncadd.s32 $0xFFFFFF30  }
0x6f: {  	[spmem:s19] =	stream.linear.scatter [tilespmem:s31], [sflag:$0x4], $0xD0, $0x38;
	[tilespmem:$0x1F910] =	vst v63  }
0x70: {  	_ =	swait.ge [sflag:s1], $0xD0  }
0x71: {  	[sflag:s1] =	ssyncset.done $0x0  }
0x72: {  	[sflag:s1] =	ssyncadd.s32 $0xFFFFFF30  }
0x73: {  	_ =	swait.ge [sflag:s23], $0x1EC0  }
0x74: {  	[sflag:s23] =	ssyncset.done $0x0  }
0x75: {  	[sflag:s23] =	ssyncadd.s32 $0xFFFFE140  }
0x76: {  	s3 =	simm.s32 $0x0;
	s2 =	simm.s32 $0x40;
	[bflag:$0x0] =	sbarrier.arrive $0xFFFF  }
.LBB2_2:
0x77: {  	p0 =	sne.s32 s2, $0xFC0;
	[tilespmem:s3+$0x1F510] =	vst v13;
	s3 =	smov.u32 s2;
	s2 =	sadd.s32 $0x40, s2  }
.Ltmp0:
0x78: {  	(pc) =	sbr.rel @p0 .LBB2_2-.Ltmp0, $2  }
0x79: {  	_ =	sdelay $0x2  }
0x7a: {  	s3 =	sshra.s32 s3, $0x2  }
0x7b: {  	s13 =	rddreg [dreg:$0x6]  }
0x7c: {  	s4 =	rddreg [dreg:$0x1d]  }
0x7d: {  	[tilespmem:s3+$0x1F510] =	vst v13;
	s2 =	sadd.s32 s30, s13;
	s19 =	sshrl.u32 s4, $0x3  }
0x7e: {  	[spmem:s19@s24], [sflag:s25] =	dma.strided [hbm:s2@s26], $0xF60, s23, $0x10   }
0x7f: {  	s4 =	sadd.s32 s0, s13;
	s13 =	rddreg [dreg:$0x1e]  }
0x80: {  	s13 =	sshrl.u32 s13, $0x3  }
0x81: {  	[spmem:s13@s24], [sflag:s25] =	dma.strided [hbm:s4@s26], $0xF60, s23, $0x10   }
0x82: {  	s3 =	simm.s32 $0x0;
	s4 =	rddreg [dreg:$0xa]  }
0x83: {  	[tilespmem:s15], [sflag:$0x3] =	stream.linear.gather [hbm4b:s4+s3], $0x400, $0x38;
	[tilespmem:$0x1F910] =	vst v63  }
0x84: {  	_ =	swait.ge [sflag:s16], $0x400  }
0x85: {  	[sflag:s16] =	ssyncset.done $0x0  }
0x86: {  	s2 =	simm.s32 $0x0;
	s3 =	simm.s32 $0x40;
	[sflag:s16] =	ssyncadd.s32 $0xFFFFFC00  }
.LBB2_4:
0x87: {  	p0 =	sne.s32 s3, $0xFC0;
	v14 =	vld [tilespmem:s2+$0x1E910];
	_ =	sdelay $0x3  }
.Ltmp1:
0x88: {  	(pc) =	sbr.rel @p0 .LBB2_4-.Ltmp1, $4  }
0x89: {  	vm0 =	vgt.s32 v14, $0xF41FF  }
0x8a: {  	v15 =	vnsel vm0, $0x0, v0  }
0x8b: {  	v14 =	vadd.s32 v14, v15  }
0x8c: {  	[tilespmem:s2+$0x1E910] =	vst v14;
	s2 =	sshra.s32 s3, $0x2;
	s3 =	sadd.s32 $0x40, s3  }
0x8d: {  	v14 =	vld [tilespmem:s2+$0x1E910];
	_ =	sdelay $0x4  }
0x8e: {  	vm0 =	vgt.s32 v14, $0xF41FF  }
0x8f: {  	v15 =	vnsel vm0, $0x0, v0  }
0x90: {  	v14 =	vadd.s32 v14, v15  }
0x91: {  	[tilespmem:s2+$0x1E910] =	vst v14  }
0x92: {  	[tilespmem:s31], [sflag:$0x2] =	stream.indirect.gather [spmem:s29], $0x1, s28, s17, $0xb8;
	[tilespmem:$0x1F910] =	vst v63  }
0x93: {  	_ =	swait.ge [sflag:s18], $0x400  }
0x94: {  	[sflag:s18] =	ssyncset.done $0x0  }
0x95: {  	s2 =	simm.s32 $0x0;
	[sflag:s18] =	ssyncadd.s32 $0xFFFFFC00  }
0x96: {  	s3 =	simm.s32 $0x40;
	v14 =	vld [tilespmem:s2+$0x1F110]  }
.LBB2_6:
0x97: {  	p0 =	sne.s32 s3, $0xFC0;
	v15 =	vld [tilespmem:s2+$0x1F510];
	_ =	sdelay $0x2  }
.Ltmp2:
0x98: {  	(pc) =	sbr.rel @p0 .LBB2_6-.Ltmp2, $4  }
0x99: {  	_ = 	snop  }
0x9a: {  	v15 =	vadd.f32 v14, v15  }
0x9b: {  	s4 =	sshra.s32 s3, $0x2  }
0x9c: {  	s3 =	sadd.s32 $0x40, s3;
	v14 =	vld [tilespmem:s4+$0x1F110];
	[tilespmem:s2+$0x1F510] =	vst v15;
	s2 =	smov.u32 s4  }
0x9d: {  	v15 =	vld [tilespmem:s2+$0x1F510];
	_ =	sdelay $0x4  }
0x9e: {  	v14 =	vadd.f32 v14, v15;
	_ =	sdelay $0x1  }
0x9f: {  	[tilespmem:s2+$0x1F510] =	vst v14  }
0xa0: {  	_ =	swait.ge [sflag:s23], $0x1EC0  }
0xa1: {  	[sflag:s23] =	ssyncset.done $0x0  }
0xa2: {  	[sflag:s23] =	ssyncadd.s32 $0xFFFFE140  }
0xa3: {  	[bflag:$0x0] =	sbarrier.arrive $0xFFFF  }
0xa4: {  	s3 =	rddreg [dreg:$0x7]  }
0xa5: {  	s4 =	sadd.s32 s30, s3  }
0xa6: {  	[spmem:s21@s24], [sflag:s25] =	dma.strided [hbm:s4@s26], $0xF60, s23, $0x10   }
0xa7: {  	s4 =	sadd.s32 s0, s3  }
0xa8: {  	[spmem:s22@s24], [sflag:s25] =	dma.strided [hbm:s4@s26], $0xF60, s23, $0x10   }
0xa9: {  	s3 =	simm.s32 $0x0;
	s4 =	rddreg [dreg:$0xb]  }
0xaa: {  	[tilespmem:s28], [sflag:$0x3] =	stream.linear.gather [hbm4b:s4+s3], $0x400, $0x38;
	[tilespmem:$0x1F910] =	vst v63  }
0xab: {  	_ =	swait.ge [sflag:s16], $0x400  }
0xac: {  	[sflag:s16] =	ssyncset.done $0x0  }
0xad: {  	s2 =	simm.s32 $0x0;
	s3 =	simm.s32 $0x40;
	[sflag:s16] =	ssyncadd.s32 $0xFFFFFC00  }
.LBB2_8:
0xae: {  	p0 =	sne.s32 s3, $0xFC0;
	v14 =	vld [tilespmem:s2+$0x1ED10];
	_ =	sdelay $0x3  }
.Ltmp3:
0xaf: {  	(pc) =	sbr.rel @p0 .LBB2_8-.Ltmp3, $4  }
0xb0: {  	vm0 =	vlt.s32 v14, $0xF4200  }
0xb1: {  	v15 =	vsel vm0, $0xF4200, v1  }
0xb2: {  	v14 =	vadd.s32 v14, v15  }
0xb3: {  	[tilespmem:s2+$0x1ED10] =	vst v14;
	s2 =	sshra.s32 s3, $0x2;
	s3 =	sadd.s32 $0x40, s3  }
0xb4: {  	v14 =	vld [tilespmem:s2+$0x1ED10];
	_ =	sdelay $0x4  }
0xb5: {  	vm0 =	vlt.s32 v14, $0xF4200  }
0xb6: {  	v15 =	vsel vm0, $0xF4200, v1  }
0xb7: {  	v14 =	vadd.s32 v14, v15  }
0xb8: {  	[tilespmem:s2+$0x1ED10] =	vst v14  }
0xb9: {  	[tilespmem:s31], [sflag:$0x2] =	stream.indirect.gather [spmem:s29], $0x1, s15, s17, $0xb8;
	[tilespmem:$0x1F910] =	vst v63  }
0xba: {  	_ =	swait.ge [sflag:s18], $0x400  }
0xbb: {  	[sflag:s18] =	ssyncset.done $0x0  }
0xbc: {  	s2 =	simm.s32 $0x0;
	[sflag:s18] =	ssyncadd.s32 $0xFFFFFC00  }
0xbd: {  	s3 =	simm.s32 $0x40;
	v14 =	vld [tilespmem:s2+$0x1F110]  }
.LBB2_10:
0xbe: {  	p0 =	sne.s32 s3, $0xFC0;
	v15 =	vld [tilespmem:s2+$0x1F510];
	_ =	sdelay $0x2  }
.Ltmp4:
0xbf: {  	(pc) =	sbr.rel @p0 .LBB2_10-.Ltmp4, $4  }
0xc0: {  	_ = 	snop  }
0xc1: {  	v15 =	vadd.f32 v14, v15  }
0xc2: {  	s4 =	sshra.s32 s3, $0x2  }
0xc3: {  	s3 =	sadd.s32 $0x40, s3;
	v14 =	vld [tilespmem:s4+$0x1F110];
	[tilespmem:s2+$0x1F510] =	vst v15;
	s2 =	smov.u32 s4  }
0xc4: {  	v15 =	vld [tilespmem:s2+$0x1F510];
	_ =	sdelay $0x4  }
0xc5: {  	v14 =	vadd.f32 v14, v15;
	_ =	sdelay $0x1  }
0xc6: {  	[tilespmem:s2+$0x1F510] =	vst v14  }
0xc7: {  	_ =	swait.ge [sflag:s23], $0x1EC0  }
0xc8: {  	[sflag:s23] =	ssyncset.done $0x0  }
0xc9: {  	[sflag:s23] =	ssyncadd.s32 $0xFFFFE140  }
0xca: {  	[bflag:$0x0] =	sbarrier.arrive $0xFFFF  }
0xcb: {  	s3 =	rddreg [dreg:$0x8]  }
0xcc: {  	s4 =	sadd.s32 s30, s3  }
0xcd: {  	[spmem:s19@s24], [sflag:s25] =	dma.strided [hbm:s4@s26], $0xF60, s23, $0x10   }
0xce: {  	s4 =	sadd.s32 s0, s3  }
0xcf: {  	[spmem:s13@s24], [sflag:s25] =	dma.strided [hbm:s4@s26], $0xF60, s23, $0x10   }
0xd0: {  	s3 =	simm.s32 $0x0;
	s4 =	rddreg [dreg:$0xc]  }
0xd1: {  	[tilespmem:s15], [sflag:$0x3] =	stream.linear.gather [hbm4b:s4+s3], $0x400, $0x38;
	[tilespmem:$0x1F910] =	vst v63  }
0xd2: {  	_ =	swait.ge [sflag:s16], $0x400  }
0xd3: {  	[sflag:s16] =	ssyncset.done $0x0  }
0xd4: {  	s2 =	simm.s32 $0x0;
	s3 =	simm.s32 $0x40;
	[sflag:s16] =	ssyncadd.s32 $0xFFFFFC00  }
.LBB2_12:
0xd5: {  	p0 =	sne.s32 s3, $0xFC0;
	v14 =	vld [tilespmem:s2+$0x1E910];
	_ =	sdelay $0x3  }
.Ltmp5:
0xd6: {  	(pc) =	sbr.rel @p0 .LBB2_12-.Ltmp5, $4  }
0xd7: {  	vm0 =	vgt.s32 v14, $0xF41FF  }
0xd8: {  	v15 =	vnsel vm0, $0x0, v2  }
0xd9: {  	v14 =	vadd.s32 v14, v15  }
0xda: {  	[tilespmem:s2+$0x1E910] =	vst v14;
	s2 =	sshra.s32 s3, $0x2;
	s3 =	sadd.s32 $0x40, s3  }
0xdb: {  	v14 =	vld [tilespmem:s2+$0x1E910];
	_ =	sdelay $0x4  }
0xdc: {  	vm0 =	vgt.s32 v14, $0xF41FF  }
0xdd: {  	v15 =	vnsel vm0, $0x0, v2  }
0xde: {  	v14 =	vadd.s32 v14, v15  }
0xdf: {  	[tilespmem:s2+$0x1E910] =	vst v14  }
0xe0: {  	[tilespmem:s31], [sflag:$0x2] =	stream.indirect.gather [spmem:s29], $0x1, s28, s17, $0xb8;
	[tilespmem:$0x1F910] =	vst v63  }
0xe1: {  	_ =	swait.ge [sflag:s18], $0x400  }
0xe2: {  	[sflag:s18] =	ssyncset.done $0x0  }
0xe3: {  	s2 =	simm.s32 $0x0;
	[sflag:s18] =	ssyncadd.s32 $0xFFFFFC00  }
0xe4: {  	s3 =	simm.s32 $0x40;
	v14 =	vld [tilespmem:s2+$0x1F110]  }
.LBB2_14:
0xe5: {  	p0 =	sne.s32 s3, $0xFC0;
	v15 =	vld [tilespmem:s2+$0x1F510];
	_ =	sdelay $0x2  }
.Ltmp6:
0xe6: {  	(pc) =	sbr.rel @p0 .LBB2_14-.Ltmp6, $4  }
0xe7: {  	_ = 	snop  }
0xe8: {  	v15 =	vadd.f32 v14, v15  }
0xe9: {  	s4 =	sshra.s32 s3, $0x2  }
0xea: {  	s3 =	sadd.s32 $0x40, s3;
	v14 =	vld [tilespmem:s4+$0x1F110];
	[tilespmem:s2+$0x1F510] =	vst v15;
	s2 =	smov.u32 s4  }
0xeb: {  	v15 =	vld [tilespmem:s2+$0x1F510];
	_ =	sdelay $0x4  }
0xec: {  	v14 =	vadd.f32 v14, v15;
	_ =	sdelay $0x1  }
0xed: {  	[tilespmem:s2+$0x1F510] =	vst v14  }
0xee: {  	_ =	swait.ge [sflag:s23], $0x1EC0  }
0xef: {  	[sflag:s23] =	ssyncset.done $0x0  }
0xf0: {  	[sflag:s23] =	ssyncadd.s32 $0xFFFFE140  }
0xf1: {  	s4 =	sadd.s32 s30, s5;
	s3 =	sadd.s32 s0, s5;
	[bflag:$0x0] =	sbarrier.arrive $0xFFFF  }
0xf2: {  	[spmem:s21@s24], [sflag:s25] =	dma.strided [hbm:s4@s26], $0xF60, s23, $0x10   }
0xf3: {  	[spmem:s22@s24], [sflag:s25] =	dma.strided [hbm:s3@s26], $0xF60, s23, $0x10   }
0xf4: {  	s4 =	simm.s32 $0x0;
	s3 =	rddreg [dreg:$0xd]  }
0xf5: {  	[tilespmem:s28], [sflag:$0x3] =	stream.linear.gather [hbm4b:s3+s4], $0x400, $0x38;
	[tilespmem:$0x1F910] =	vst v63  }
0xf6: {  	_ =	swait.ge [sflag:s16], $0x400  }
0xf7: {  	[sflag:s16] =	ssyncset.done $0x0  }
0xf8: {  	s2 =	simm.s32 $0x0;
	s3 =	simm.s32 $0x40;
	[sflag:s16] =	ssyncadd.s32 $0xFFFFFC00  }
.LBB2_16:
0xf9: {  	p0 =	sne.s32 s3, $0xFC0;
	v14 =	vld [tilespmem:s2+$0x1ED10];
	_ =	sdelay $0x3  }
.Ltmp7:
0xfa: {  	(pc) =	sbr.rel @p0 .LBB2_16-.Ltmp7, $4  }
0xfb: {  	vm0 =	vlt.s32 v14, $0xF4200  }
0xfc: {  	v15 =	vsel vm0, $0xF4200, v3  }
0xfd: {  	v14 =	vadd.s32 v14, v15  }
0xfe: {  	[tilespmem:s2+$0x1ED10] =	vst v14;
	s2 =	sshra.s32 s3, $0x2;
	s3 =	sadd.s32 $0x40, s3  }
0xff: {  	v14 =	vld [tilespmem:s2+$0x1ED10];
	_ =	sdelay $0x4  }
0x100: {  	vm0 =	vlt.s32 v14, $0xF4200  }
0x101: {  	v15 =	vsel vm0, $0xF4200, v3  }
0x102: {  	v14 =	vadd.s32 v14, v15  }
0x103: {  	[tilespmem:s2+$0x1ED10] =	vst v14  }
0x104: {  	[tilespmem:s31], [sflag:$0x2] =	stream.indirect.gather [spmem:s29], $0x1, s15, s17, $0xb8;
	[tilespmem:$0x1F910] =	vst v63  }
0x105: {  	_ =	swait.ge [sflag:s18], $0x400  }
0x106: {  	[sflag:s18] =	ssyncset.done $0x0  }
0x107: {  	s2 =	simm.s32 $0x0;
	[sflag:s18] =	ssyncadd.s32 $0xFFFFFC00  }
0x108: {  	s3 =	simm.s32 $0x40;
	v14 =	vld [tilespmem:s2+$0x1F110]  }
.LBB2_18:
0x109: {  	p0 =	sne.s32 s3, $0xFC0;
	v15 =	vld [tilespmem:s2+$0x1F510];
	_ =	sdelay $0x2  }
.Ltmp8:
0x10a: {  	(pc) =	sbr.rel @p0 .LBB2_18-.Ltmp8, $4  }
0x10b: {  	_ = 	snop  }
0x10c: {  	v15 =	vadd.f32 v14, v15  }
0x10d: {  	s4 =	sshra.s32 s3, $0x2  }
0x10e: {  	s3 =	sadd.s32 $0x40, s3;
	v14 =	vld [tilespmem:s4+$0x1F110];
	[tilespmem:s2+$0x1F510] =	vst v15;
	s2 =	smov.u32 s4  }
0x10f: {  	v15 =	vld [tilespmem:s2+$0x1F510];
	_ =	sdelay $0x4  }
0x110: {  	v14 =	vadd.f32 v14, v15;
	_ =	sdelay $0x1  }
0x111: {  	[tilespmem:s2+$0x1F510] =	vst v14  }
0x112: {  	_ =	swait.ge [sflag:s23], $0x1EC0  }
0x113: {  	[sflag:s23] =	ssyncset.done $0x0  }
0x114: {  	[sflag:s23] =	ssyncadd.s32 $0xFFFFE140  }
0x115: {  	s4 =	sadd.s32 s30, s6;
	s3 =	sadd.s32 s0, s6;
	[bflag:$0x0] =	sbarrier.arrive $0xFFFF  }
0x116: {  	[spmem:s19@s24], [sflag:s25] =	dma.strided [hbm:s4@s26], $0xF60, s23, $0x10   }
0x117: {  	[spmem:s13@s24], [sflag:s25] =	dma.strided [hbm:s3@s26], $0xF60, s23, $0x10   }
0x118: {  	s4 =	simm.s32 $0x0;
	s3 =	rddreg [dreg:$0xe]  }
0x119: {  	[tilespmem:s15], [sflag:$0x3] =	stream.linear.gather [hbm4b:s3+s4], $0x400, $0x38;
	[tilespmem:$0x1F910] =	vst v63  }
0x11a: {  	_ =	swait.ge [sflag:s16], $0x400  }
0x11b: {  	[sflag:s16] =	ssyncset.done $0x0  }
0x11c: {  	s2 =	simm.s32 $0x0;
	s3 =	simm.s32 $0x40;
	[sflag:s16] =	ssyncadd.s32 $0xFFFFFC00  }
.LBB2_20:
0x11d: {  	p0 =	sne.s32 s3, $0xFC0;
	v14 =	vld [tilespmem:s2+$0x1E910];
	_ =	sdelay $0x3  }
.Ltmp9:
0x11e: {  	(pc) =	sbr.rel @p0 .LBB2_20-.Ltmp9, $4  }
0x11f: {  	vm0 =	vgt.s32 v14, $0xF41FF  }
0x120: {  	v15 =	vnsel vm0, $0x0, v4  }
0x121: {  	v14 =	vadd.s32 v14, v15  }
0x122: {  	[tilespmem:s2+$0x1E910] =	vst v14;
	s2 =	sshra.s32 s3, $0x2;
	s3 =	sadd.s32 $0x40, s3  }
0x123: {  	v14 =	vld [tilespmem:s2+$0x1E910];
	_ =	sdelay $0x4  }
0x124: {  	vm0 =	vgt.s32 v14, $0xF41FF  }
0x125: {  	v15 =	vnsel vm0, $0x0, v4  }
0x126: {  	v14 =	vadd.s32 v14, v15  }
0x127: {  	[tilespmem:s2+$0x1E910] =	vst v14  }
0x128: {  	[tilespmem:s31], [sflag:$0x2] =	stream.indirect.gather [spmem:s29], $0x1, s28, s17, $0xb8;
	[tilespmem:$0x1F910] =	vst v63  }
0x129: {  	_ =	swait.ge [sflag:s18], $0x400  }
0x12a: {  	[sflag:s18] =	ssyncset.done $0x0  }
0x12b: {  	s2 =	simm.s32 $0x0;
	[sflag:s18] =	ssyncadd.s32 $0xFFFFFC00  }
0x12c: {  	s3 =	simm.s32 $0x40;
	v14 =	vld [tilespmem:s2+$0x1F110]  }
.LBB2_22:
0x12d: {  	p0 =	sne.s32 s3, $0xFC0;
	v15 =	vld [tilespmem:s2+$0x1F510];
	_ =	sdelay $0x2  }
.Ltmp10:
0x12e: {  	(pc) =	sbr.rel @p0 .LBB2_22-.Ltmp10, $4  }
0x12f: {  	_ = 	snop  }
0x130: {  	v15 =	vadd.f32 v14, v15  }
0x131: {  	s4 =	sshra.s32 s3, $0x2  }
0x132: {  	s3 =	sadd.s32 $0x40, s3;
	v14 =	vld [tilespmem:s4+$0x1F110];
	[tilespmem:s2+$0x1F510] =	vst v15;
	s2 =	smov.u32 s4  }
0x133: {  	v15 =	vld [tilespmem:s2+$0x1F510];
	_ =	sdelay $0x4  }
0x134: {  	v14 =	vadd.f32 v14, v15;
	_ =	sdelay $0x1  }
0x135: {  	[tilespmem:s2+$0x1F510] =	vst v14  }
0x136: {  	_ =	swait.ge [sflag:s23], $0x1EC0  }
0x137: {  	[sflag:s23] =	ssyncset.done $0x0  }
0x138: {  	[sflag:s23] =	ssyncadd.s32 $0xFFFFE140  }
0x139: {  	s4 =	sadd.s32 s30, s7;
	s3 =	sadd.s32 s0, s7;
	[bflag:$0x0] =	sbarrier.arrive $0xFFFF  }
0x13a: {  	[spmem:s21@s24], [sflag:s25] =	dma.strided [hbm:s4@s26], $0xF60, s23, $0x10   }
0x13b: {  	[spmem:s22@s24], [sflag:s25] =	dma.strided [hbm:s3@s26], $0xF60, s23, $0x10   }
0x13c: {  	s4 =	simm.s32 $0x0;
	s3 =	rddreg [dreg:$0xf]  }
0x13d: {  	[tilespmem:s28], [sflag:$0x3] =	stream.linear.gather [hbm4b:s3+s4], $0x400, $0x38;
	[tilespmem:$0x1F910] =	vst v63  }
0x13e: {  	_ =	swait.ge [sflag:s16], $0x400  }
0x13f: {  	[sflag:s16] =	ssyncset.done $0x0  }
0x140: {  	s2 =	simm.s32 $0x0;
	s3 =	simm.s32 $0x40;
	[sflag:s16] =	ssyncadd.s32 $0xFFFFFC00  }
.LBB2_24:
0x141: {  	p0 =	sne.s32 s3, $0xFC0;
	v14 =	vld [tilespmem:s2+$0x1ED10];
	_ =	sdelay $0x3  }
.Ltmp11:
0x142: {  	(pc) =	sbr.rel @p0 .LBB2_24-.Ltmp11, $4  }
0x143: {  	vm0 =	vlt.s32 v14, $0xF4200  }
0x144: {  	v15 =	vsel vm0, $0xF4200, v5  }
0x145: {  	v14 =	vadd.s32 v14, v15  }
0x146: {  	[tilespmem:s2+$0x1ED10] =	vst v14;
	s2 =	sshra.s32 s3, $0x2;
	s3 =	sadd.s32 $0x40, s3  }
0x147: {  	v14 =	vld [tilespmem:s2+$0x1ED10];
	_ =	sdelay $0x4  }
0x148: {  	vm0 =	vlt.s32 v14, $0xF4200  }
0x149: {  	v15 =	vsel vm0, $0xF4200, v5  }
0x14a: {  	v14 =	vadd.s32 v14, v15  }
0x14b: {  	[tilespmem:s2+$0x1ED10] =	vst v14  }
0x14c: {  	[tilespmem:s31], [sflag:$0x2] =	stream.indirect.gather [spmem:s29], $0x1, s15, s17, $0xb8;
	[tilespmem:$0x1F910] =	vst v63  }
0x14d: {  	_ =	swait.ge [sflag:s18], $0x400  }
0x14e: {  	[sflag:s18] =	ssyncset.done $0x0  }
0x14f: {  	s2 =	simm.s32 $0x0;
	[sflag:s18] =	ssyncadd.s32 $0xFFFFFC00  }
0x150: {  	s3 =	simm.s32 $0x40;
	v14 =	vld [tilespmem:s2+$0x1F110]  }
.LBB2_26:
0x151: {  	p0 =	sne.s32 s3, $0xFC0;
	v15 =	vld [tilespmem:s2+$0x1F510];
	_ =	sdelay $0x2  }
.Ltmp12:
0x152: {  	(pc) =	sbr.rel @p0 .LBB2_26-.Ltmp12, $4  }
0x153: {  	_ = 	snop  }
0x154: {  	v15 =	vadd.f32 v14, v15  }
0x155: {  	s4 =	sshra.s32 s3, $0x2  }
0x156: {  	s3 =	sadd.s32 $0x40, s3;
	v14 =	vld [tilespmem:s4+$0x1F110];
	[tilespmem:s2+$0x1F510] =	vst v15;
	s2 =	smov.u32 s4  }
0x157: {  	v15 =	vld [tilespmem:s2+$0x1F510];
	_ =	sdelay $0x4  }
0x158: {  	v14 =	vadd.f32 v14, v15;
	_ =	sdelay $0x1  }
0x159: {  	[tilespmem:s2+$0x1F510] =	vst v14  }
0x15a: {  	_ =	swait.ge [sflag:s23], $0x1EC0  }
0x15b: {  	[sflag:s23] =	ssyncset.done $0x0  }
0x15c: {  	[sflag:s23] =	ssyncadd.s32 $0xFFFFE140  }
0x15d: {  	s4 =	sadd.s32 s30, s8;
	s3 =	sadd.s32 s0, s8;
	[bflag:$0x0] =	sbarrier.arrive $0xFFFF  }
0x15e: {  	[spmem:s19@s24], [sflag:s25] =	dma.strided [hbm:s4@s26], $0xF60, s23, $0x10   }
0x15f: {  	[spmem:s13@s24], [sflag:s25] =	dma.strided [hbm:s3@s26], $0xF60, s23, $0x10   }
0x160: {  	s4 =	simm.s32 $0x0;
	s3 =	rddreg [dreg:$0x10]  }
0x161: {  	[tilespmem:s15], [sflag:$0x3] =	stream.linear.gather [hbm4b:s3+s4], $0x400, $0x38;
	[tilespmem:$0x1F910] =	vst v63  }
0x162: {  	_ =	swait.ge [sflag:s16], $0x400  }
0x163: {  	[sflag:s16] =	ssyncset.done $0x0  }
0x164: {  	s2 =	simm.s32 $0x0;
	s3 =	simm.s32 $0x40;
	[sflag:s16] =	ssyncadd.s32 $0xFFFFFC00  }
.LBB2_28:
0x165: {  	p0 =	sne.s32 s3, $0xFC0;
	v14 =	vld [tilespmem:s2+$0x1E910];
	_ =	sdelay $0x3  }
.Ltmp13:
0x166: {  	(pc) =	sbr.rel @p0 .LBB2_28-.Ltmp13, $4  }
0x167: {  	vm0 =	vgt.s32 v14, $0xF41FF  }
0x168: {  	v15 =	vnsel vm0, $0x0, v6  }
0x169: {  	v14 =	vadd.s32 v14, v15  }
0x16a: {  	[tilespmem:s2+$0x1E910] =	vst v14;
	s2 =	sshra.s32 s3, $0x2;
	s3 =	sadd.s32 $0x40, s3  }
0x16b: {  	v14 =	vld [tilespmem:s2+$0x1E910];
	_ =	sdelay $0x4  }
0x16c: {  	vm0 =	vgt.s32 v14, $0xF41FF  }
0x16d: {  	v15 =	vnsel vm0, $0x0, v6  }
0x16e: {  	v14 =	vadd.s32 v14, v15  }
0x16f: {  	[tilespmem:s2+$0x1E910] =	vst v14  }
0x170: {  	[tilespmem:s31], [sflag:$0x2] =	stream.indirect.gather [spmem:s29], $0x1, s28, s17, $0xb8;
	[tilespmem:$0x1F910] =	vst v63  }
0x171: {  	_ =	swait.ge [sflag:s18], $0x400  }
0x172: {  	[sflag:s18] =	ssyncset.done $0x0  }
0x173: {  	s2 =	simm.s32 $0x0;
	[sflag:s18] =	ssyncadd.s32 $0xFFFFFC00  }
0x174: {  	s3 =	simm.s32 $0x40;
	v14 =	vld [tilespmem:s2+$0x1F110]  }
.LBB2_30:
0x175: {  	p0 =	sne.s32 s3, $0xFC0;
	v15 =	vld [tilespmem:s2+$0x1F510];
	_ =	sdelay $0x2  }
.Ltmp14:
0x176: {  	(pc) =	sbr.rel @p0 .LBB2_30-.Ltmp14, $4  }
0x177: {  	_ = 	snop  }
0x178: {  	v15 =	vadd.f32 v14, v15  }
0x179: {  	s4 =	sshra.s32 s3, $0x2  }
0x17a: {  	s3 =	sadd.s32 $0x40, s3;
	v14 =	vld [tilespmem:s4+$0x1F110];
	[tilespmem:s2+$0x1F510] =	vst v15;
	s2 =	smov.u32 s4  }
0x17b: {  	v15 =	vld [tilespmem:s2+$0x1F510];
	_ =	sdelay $0x4  }
0x17c: {  	v14 =	vadd.f32 v14, v15;
	_ =	sdelay $0x1  }
0x17d: {  	[tilespmem:s2+$0x1F510] =	vst v14  }
0x17e: {  	_ =	swait.ge [sflag:s23], $0x1EC0  }
0x17f: {  	[sflag:s23] =	ssyncset.done $0x0  }
0x180: {  	[sflag:s23] =	ssyncadd.s32 $0xFFFFE140  }
0x181: {  	s4 =	sadd.s32 s30, s9;
	s3 =	sadd.s32 s0, s9;
	[bflag:$0x0] =	sbarrier.arrive $0xFFFF  }
0x182: {  	[spmem:s21@s24], [sflag:s25] =	dma.strided [hbm:s4@s26], $0xF60, s23, $0x10   }
0x183: {  	[spmem:s22@s24], [sflag:s25] =	dma.strided [hbm:s3@s26], $0xF60, s23, $0x10   }
0x184: {  	s4 =	simm.s32 $0x0;
	s3 =	rddreg [dreg:$0x11]  }
0x185: {  	[tilespmem:s28], [sflag:$0x3] =	stream.linear.gather [hbm4b:s3+s4], $0x400, $0x38;
	[tilespmem:$0x1F910] =	vst v63  }
0x186: {  	_ =	swait.ge [sflag:s16], $0x400  }
0x187: {  	[sflag:s16] =	ssyncset.done $0x0  }
0x188: {  	s2 =	simm.s32 $0x0;
	s3 =	simm.s32 $0x40;
	[sflag:s16] =	ssyncadd.s32 $0xFFFFFC00  }
.LBB2_32:
0x189: {  	p0 =	sne.s32 s3, $0xFC0;
	v14 =	vld [tilespmem:s2+$0x1ED10];
	_ =	sdelay $0x3  }
.Ltmp15:
0x18a: {  	(pc) =	sbr.rel @p0 .LBB2_32-.Ltmp15, $4  }
0x18b: {  	vm0 =	vlt.s32 v14, $0xF4200  }
0x18c: {  	v15 =	vsel vm0, $0xF4200, v7  }
0x18d: {  	v14 =	vadd.s32 v14, v15  }
0x18e: {  	[tilespmem:s2+$0x1ED10] =	vst v14;
	s2 =	sshra.s32 s3, $0x2;
	s3 =	sadd.s32 $0x40, s3  }
0x18f: {  	v14 =	vld [tilespmem:s2+$0x1ED10];
	_ =	sdelay $0x4  }
0x190: {  	vm0 =	vlt.s32 v14, $0xF4200  }
0x191: {  	v15 =	vsel vm0, $0xF4200, v7  }
0x192: {  	v14 =	vadd.s32 v14, v15  }
0x193: {  	[tilespmem:s2+$0x1ED10] =	vst v14  }
0x194: {  	[tilespmem:s31], [sflag:$0x2] =	stream.indirect.gather [spmem:s29], $0x1, s15, s17, $0xb8;
	[tilespmem:$0x1F910] =	vst v63  }
0x195: {  	_ =	swait.ge [sflag:s18], $0x400  }
0x196: {  	[sflag:s18] =	ssyncset.done $0x0  }
0x197: {  	s2 =	simm.s32 $0x0;
	[sflag:s18] =	ssyncadd.s32 $0xFFFFFC00  }
0x198: {  	s3 =	simm.s32 $0x40;
	v14 =	vld [tilespmem:s2+$0x1F110]  }
.LBB2_34:
0x199: {  	p0 =	sne.s32 s3, $0xFC0;
	v15 =	vld [tilespmem:s2+$0x1F510];
	_ =	sdelay $0x2  }
.Ltmp16:
0x19a: {  	(pc) =	sbr.rel @p0 .LBB2_34-.Ltmp16, $4  }
0x19b: {  	_ = 	snop  }
0x19c: {  	v15 =	vadd.f32 v14, v15  }
0x19d: {  	s4 =	sshra.s32 s3, $0x2  }
0x19e: {  	s3 =	sadd.s32 $0x40, s3;
	v14 =	vld [tilespmem:s4+$0x1F110];
	[tilespmem:s2+$0x1F510] =	vst v15;
	s2 =	smov.u32 s4  }
0x19f: {  	v15 =	vld [tilespmem:s2+$0x1F510];
	_ =	sdelay $0x4  }
0x1a0: {  	v14 =	vadd.f32 v14, v15;
	_ =	sdelay $0x1  }
0x1a1: {  	[tilespmem:s2+$0x1F510] =	vst v14  }
0x1a2: {  	_ =	swait.ge [sflag:s23], $0x1EC0  }
0x1a3: {  	[sflag:s23] =	ssyncset.done $0x0  }
0x1a4: {  	[sflag:s23] =	ssyncadd.s32 $0xFFFFE140  }
0x1a5: {  	s4 =	sadd.s32 s30, s10;
	s3 =	sadd.s32 s0, s10;
	[bflag:$0x0] =	sbarrier.arrive $0xFFFF  }
0x1a6: {  	[spmem:s19@s24], [sflag:s25] =	dma.strided [hbm:s4@s26], $0xF60, s23, $0x10   }
0x1a7: {  	[spmem:s13@s24], [sflag:s25] =	dma.strided [hbm:s3@s26], $0xF60, s23, $0x10   }
0x1a8: {  	s4 =	simm.s32 $0x0;
	s3 =	rddreg [dreg:$0x12]  }
0x1a9: {  	[tilespmem:s15], [sflag:$0x3] =	stream.linear.gather [hbm4b:s3+s4], $0x400, $0x38;
	[tilespmem:$0x1F910] =	vst v63  }
0x1aa: {  	_ =	swait.ge [sflag:s16], $0x400  }
0x1ab: {  	[sflag:s16] =	ssyncset.done $0x0  }
0x1ac: {  	s2 =	simm.s32 $0x0;
	s3 =	simm.s32 $0x40;
	[sflag:s16] =	ssyncadd.s32 $0xFFFFFC00  }
.LBB2_36:
0x1ad: {  	p0 =	sne.s32 s3, $0xFC0;
	v14 =	vld [tilespmem:s2+$0x1E910];
	_ =	sdelay $0x3  }
.Ltmp17:
0x1ae: {  	(pc) =	sbr.rel @p0 .LBB2_36-.Ltmp17, $4  }
0x1af: {  	vm0 =	vgt.s32 v14, $0xF41FF  }
0x1b0: {  	v15 =	vnsel vm0, $0x0, v8  }
0x1b1: {  	v14 =	vadd.s32 v14, v15  }
0x1b2: {  	[tilespmem:s2+$0x1E910] =	vst v14;
	s2 =	sshra.s32 s3, $0x2;
	s3 =	sadd.s32 $0x40, s3  }
0x1b3: {  	v14 =	vld [tilespmem:s2+$0x1E910];
	_ =	sdelay $0x4  }
0x1b4: {  	vm0 =	vgt.s32 v14, $0xF41FF  }
0x1b5: {  	v15 =	vnsel vm0, $0x0, v8  }
0x1b6: {  	v14 =	vadd.s32 v14, v15  }
0x1b7: {  	[tilespmem:s2+$0x1E910] =	vst v14  }
0x1b8: {  	[tilespmem:s31], [sflag:$0x2] =	stream.indirect.gather [spmem:s29], $0x1, s28, s17, $0xb8;
	[tilespmem:$0x1F910] =	vst v63  }
0x1b9: {  	_ =	swait.ge [sflag:s18], $0x400  }
0x1ba: {  	[sflag:s18] =	ssyncset.done $0x0  }
0x1bb: {  	s2 =	simm.s32 $0x0;
	[sflag:s18] =	ssyncadd.s32 $0xFFFFFC00  }
0x1bc: {  	s3 =	simm.s32 $0x40;
	v14 =	vld [tilespmem:s2+$0x1F110]  }
.LBB2_38:
0x1bd: {  	p0 =	sne.s32 s3, $0xFC0;
	v15 =	vld [tilespmem:s2+$0x1F510];
	_ =	sdelay $0x2  }
.Ltmp18:
0x1be: {  	(pc) =	sbr.rel @p0 .LBB2_38-.Ltmp18, $4  }
0x1bf: {  	_ = 	snop  }
0x1c0: {  	v15 =	vadd.f32 v14, v15  }
0x1c1: {  	s4 =	sshra.s32 s3, $0x2  }
0x1c2: {  	s3 =	sadd.s32 $0x40, s3;
	v14 =	vld [tilespmem:s4+$0x1F110];
	[tilespmem:s2+$0x1F510] =	vst v15;
	s2 =	smov.u32 s4  }
0x1c3: {  	v15 =	vld [tilespmem:s2+$0x1F510];
	_ =	sdelay $0x4  }
0x1c4: {  	v14 =	vadd.f32 v14, v15;
	_ =	sdelay $0x1  }
0x1c5: {  	[tilespmem:s2+$0x1F510] =	vst v14  }
0x1c6: {  	_ =	swait.ge [sflag:s23], $0x1EC0  }
0x1c7: {  	[sflag:s23] =	ssyncset.done $0x0  }
0x1c8: {  	[sflag:s23] =	ssyncadd.s32 $0xFFFFE140  }
0x1c9: {  	s4 =	sadd.s32 s30, s11;
	s3 =	sadd.s32 s0, s11;
	[bflag:$0x0] =	sbarrier.arrive $0xFFFF  }
0x1ca: {  	[spmem:s21@s24], [sflag:s25] =	dma.strided [hbm:s4@s26], $0xF60, s23, $0x10   }
0x1cb: {  	[spmem:s22@s24], [sflag:s25] =	dma.strided [hbm:s3@s26], $0xF60, s23, $0x10   }
0x1cc: {  	s4 =	simm.s32 $0x0;
	s3 =	rddreg [dreg:$0x13]  }
0x1cd: {  	[tilespmem:s28], [sflag:$0x3] =	stream.linear.gather [hbm4b:s3+s4], $0x400, $0x38;
	[tilespmem:$0x1F910] =	vst v63  }
0x1ce: {  	_ =	swait.ge [sflag:s16], $0x400  }
0x1cf: {  	[sflag:s16] =	ssyncset.done $0x0  }
0x1d0: {  	s2 =	simm.s32 $0x0;
	s3 =	simm.s32 $0x40;
	[sflag:s16] =	ssyncadd.s32 $0xFFFFFC00  }
.LBB2_40:
0x1d1: {  	p0 =	sne.s32 s3, $0xFC0;
	v14 =	vld [tilespmem:s2+$0x1ED10];
	_ =	sdelay $0x3  }
.Ltmp19:
0x1d2: {  	(pc) =	sbr.rel @p0 .LBB2_40-.Ltmp19, $4  }
0x1d3: {  	vm0 =	vlt.s32 v14, $0xF4200  }
0x1d4: {  	v15 =	vsel vm0, $0xF4200, v9  }
0x1d5: {  	v14 =	vadd.s32 v14, v15  }
0x1d6: {  	[tilespmem:s2+$0x1ED10] =	vst v14;
	s2 =	sshra.s32 s3, $0x2;
	s3 =	sadd.s32 $0x40, s3  }
0x1d7: {  	v14 =	vld [tilespmem:s2+$0x1ED10];
	_ =	sdelay $0x4  }
0x1d8: {  	vm0 =	vlt.s32 v14, $0xF4200  }
0x1d9: {  	v15 =	vsel vm0, $0xF4200, v9  }
0x1da: {  	v14 =	vadd.s32 v14, v15  }
0x1db: {  	[tilespmem:s2+$0x1ED10] =	vst v14  }
0x1dc: {  	[tilespmem:s31], [sflag:$0x2] =	stream.indirect.gather [spmem:s29], $0x1, s15, s17, $0xb8;
	[tilespmem:$0x1F910] =	vst v63  }
0x1dd: {  	_ =	swait.ge [sflag:s18], $0x400  }
0x1de: {  	[sflag:s18] =	ssyncset.done $0x0  }
0x1df: {  	s2 =	simm.s32 $0x0;
	[sflag:s18] =	ssyncadd.s32 $0xFFFFFC00  }
0x1e0: {  	s3 =	simm.s32 $0x40;
	v14 =	vld [tilespmem:s2+$0x1F110]  }
.LBB2_42:
0x1e1: {  	p0 =	sne.s32 s3, $0xFC0;
	v15 =	vld [tilespmem:s2+$0x1F510];
	_ =	sdelay $0x2  }
.Ltmp20:
0x1e2: {  	(pc) =	sbr.rel @p0 .LBB2_42-.Ltmp20, $4  }
0x1e3: {  	_ = 	snop  }
0x1e4: {  	v15 =	vadd.f32 v14, v15  }
0x1e5: {  	s4 =	sshra.s32 s3, $0x2  }
0x1e6: {  	s3 =	sadd.s32 $0x40, s3;
	v14 =	vld [tilespmem:s4+$0x1F110];
	[tilespmem:s2+$0x1F510] =	vst v15;
	s2 =	smov.u32 s4  }
0x1e7: {  	v15 =	vld [tilespmem:s2+$0x1F510];
	_ =	sdelay $0x4  }
0x1e8: {  	v14 =	vadd.f32 v14, v15;
	_ =	sdelay $0x1  }
0x1e9: {  	[tilespmem:s2+$0x1F510] =	vst v14  }
0x1ea: {  	_ =	swait.ge [sflag:s23], $0x1EC0  }
0x1eb: {  	[sflag:s23] =	ssyncset.done $0x0  }
0x1ec: {  	[sflag:s23] =	ssyncadd.s32 $0xFFFFE140  }
0x1ed: {  	s3 =	sadd.s32 s30, s12;
	s4 =	sadd.s32 s0, s12;
	[bflag:$0x0] =	sbarrier.arrive $0xFFFF  }
0x1ee: {  	[spmem:s19@s24], [sflag:s25] =	dma.strided [hbm:s3@s26], $0xF60, s23, $0x10   }
0x1ef: {  	[spmem:s13@s24], [sflag:s25] =	dma.strided [hbm:s4@s26], $0xF60, s23, $0x10   }
0x1f0: {  	s19 =	simm.s32 $0x0;
	s3 =	rddreg [dreg:$0x14]  }
0x1f1: {  	[tilespmem:s15], [sflag:$0x3] =	stream.linear.gather [hbm4b:s3+s19], $0x400, $0x38;
	[tilespmem:$0x1F910] =	vst v63  }
0x1f2: {  	_ =	swait.ge [sflag:s16], $0x400  }
0x1f3: {  	[sflag:s16] =	ssyncset.done $0x0  }
0x1f4: {  	s2 =	simm.s32 $0x0;
	s3 =	simm.s32 $0x40;
	[sflag:s16] =	ssyncadd.s32 $0xFFFFFC00  }
.LBB2_44:
0x1f5: {  	p0 =	sne.s32 s3, $0xFC0;
	v14 =	vld [tilespmem:s2+$0x1E910];
	_ =	sdelay $0x3  }
.Ltmp21:
0x1f6: {  	(pc) =	sbr.rel @p0 .LBB2_44-.Ltmp21, $4  }
0x1f7: {  	vm0 =	vgt.s32 v14, $0xF41FF  }
0x1f8: {  	v15 =	vnsel vm0, $0x0, v10  }
0x1f9: {  	v14 =	vadd.s32 v14, v15  }
0x1fa: {  	[tilespmem:s2+$0x1E910] =	vst v14;
	s2 =	sshra.s32 s3, $0x2;
	s3 =	sadd.s32 $0x40, s3  }
0x1fb: {  	v14 =	vld [tilespmem:s2+$0x1E910];
	_ =	sdelay $0x4  }
0x1fc: {  	vm0 =	vgt.s32 v14, $0xF41FF  }
0x1fd: {  	v15 =	vnsel vm0, $0x0, v10  }
0x1fe: {  	v14 =	vadd.s32 v14, v15  }
0x1ff: {  	[tilespmem:s2+$0x1E910] =	vst v14  }
0x200: {  	[tilespmem:s31], [sflag:$0x2] =	stream.indirect.gather [spmem:s29], $0x1, s28, s17, $0xb8;
	[tilespmem:$0x1F910] =	vst v63  }
0x201: {  	_ =	swait.ge [sflag:s18], $0x400  }
0x202: {  	[sflag:s18] =	ssyncset.done $0x0  }
0x203: {  	s2 =	simm.s32 $0x0;
	[sflag:s18] =	ssyncadd.s32 $0xFFFFFC00  }
0x204: {  	s3 =	simm.s32 $0x40;
	v14 =	vld [tilespmem:s2+$0x1F110]  }
.LBB2_46:
0x205: {  	p0 =	sne.s32 s3, $0xFC0;
	v15 =	vld [tilespmem:s2+$0x1F510];
	_ =	sdelay $0x2  }
.Ltmp22:
0x206: {  	(pc) =	sbr.rel @p0 .LBB2_46-.Ltmp22, $4  }
0x207: {  	_ = 	snop  }
0x208: {  	v15 =	vadd.f32 v14, v15  }
0x209: {  	s4 =	sshra.s32 s3, $0x2  }
0x20a: {  	s3 =	sadd.s32 $0x40, s3;
	v14 =	vld [tilespmem:s4+$0x1F110];
	[tilespmem:s2+$0x1F510] =	vst v15;
	s2 =	smov.u32 s4  }
0x20b: {  	v15 =	vld [tilespmem:s2+$0x1F510];
	_ =	sdelay $0x4  }
0x20c: {  	v14 =	vadd.f32 v14, v15;
	_ =	sdelay $0x1  }
0x20d: {  	[tilespmem:s2+$0x1F510] =	vst v14  }
0x20e: {  	_ =	swait.ge [sflag:s23], $0x1EC0  }
0x20f: {  	[sflag:s23] =	ssyncset.done $0x0  }
0x210: {  	[sflag:s23] =	ssyncadd.s32 $0xFFFFE140  }
0x211: {  	s19 =	sadd.s32 s30, s14;
	[bflag:$0x0] =	sbarrier.arrive $0xFFFF  }
0x212: {  	[spmem:s21@s24], [sflag:s25] =	dma.strided [hbm:s19@s26], $0xF60, s23, $0x10   }
0x213: {  	s21 =	sadd.s32 s0, s14  }
0x214: {  	[spmem:s22@s24], [sflag:s25] =	dma.strided [hbm:s21@s26], $0xF60, s23, $0x10   }
0x215: {  	s22 =	simm.s32 $0x0;
	s3 =	rddreg [dreg:$0x15]  }
0x216: {  	[tilespmem:s28], [sflag:$0x3] =	stream.linear.gather [hbm4b:s3+s22], $0x400, $0x38;
	[tilespmem:$0x1F910] =	vst v63  }
0x217: {  	_ =	swait.ge [sflag:s16], $0x400  }
0x218: {  	[sflag:s16] =	ssyncset.done $0x0  }
0x219: {  	s2 =	simm.s32 $0x0;
	s3 =	simm.s32 $0x40;
	[sflag:s16] =	ssyncadd.s32 $0xFFFFFC00  }
.LBB2_48:
0x21a: {  	p0 =	sne.s32 s3, $0xFC0;
	v14 =	vld [tilespmem:s2+$0x1ED10];
	_ =	sdelay $0x3  }
.Ltmp23:
0x21b: {  	(pc) =	sbr.rel @p0 .LBB2_48-.Ltmp23, $4  }
0x21c: {  	vm0 =	vlt.s32 v14, $0xF4200  }
0x21d: {  	v15 =	vsel vm0, $0xF4200, v11  }
0x21e: {  	v14 =	vadd.s32 v14, v15  }
0x21f: {  	[tilespmem:s2+$0x1ED10] =	vst v14;
	s2 =	sshra.s32 s3, $0x2;
	s3 =	sadd.s32 $0x40, s3  }
0x220: {  	v14 =	vld [tilespmem:s2+$0x1ED10];
	_ =	sdelay $0x4  }
0x221: {  	vm0 =	vlt.s32 v14, $0xF4200  }
0x222: {  	v15 =	vsel vm0, $0xF4200, v11  }
0x223: {  	v14 =	vadd.s32 v14, v15  }
0x224: {  	[tilespmem:s2+$0x1ED10] =	vst v14  }
0x225: {  	[tilespmem:s31], [sflag:$0x2] =	stream.indirect.gather [spmem:s29], $0x1, s15, s17, $0xb8;
	[tilespmem:$0x1F910] =	vst v63  }
0x226: {  	_ =	swait.ge [sflag:s18], $0x400  }
0x227: {  	[sflag:s18] =	ssyncset.done $0x0  }
0x228: {  	s2 =	simm.s32 $0x0;
	[sflag:s18] =	ssyncadd.s32 $0xFFFFFC00  }
0x229: {  	s3 =	simm.s32 $0x40;
	v14 =	vld [tilespmem:s2+$0x1F110]  }
.LBB2_50:
0x22a: {  	p0 =	sne.s32 s3, $0xFC0;
	v15 =	vld [tilespmem:s2+$0x1F510];
	_ =	sdelay $0x2  }
.Ltmp24:
0x22b: {  	(pc) =	sbr.rel @p0 .LBB2_50-.Ltmp24, $4  }
0x22c: {  	_ = 	snop  }
0x22d: {  	v15 =	vadd.f32 v14, v15  }
0x22e: {  	s4 =	sshra.s32 s3, $0x2  }
0x22f: {  	s3 =	sadd.s32 $0x40, s3;
	v14 =	vld [tilespmem:s4+$0x1F110];
	[tilespmem:s2+$0x1F510] =	vst v15;
	s2 =	smov.u32 s4  }
0x230: {  	v15 =	vld [tilespmem:s2+$0x1F510];
	_ =	sdelay $0x4  }
0x231: {  	v14 =	vadd.f32 v14, v15;
	_ =	sdelay $0x1  }
0x232: {  	[tilespmem:s2+$0x1F510] =	vst v14  }
0x233: {  	_ =	swait.ge [sflag:s23], $0x1EC0  }
0x234: {  	[sflag:s23] =	ssyncset.done $0x0  }
0x235: {  	[sflag:s23] =	ssyncadd.s32 $0xFFFFE140  }
0x236: {  	[bflag:$0x0] =	sbarrier.arrive $0xFFFF  }
0x237: {  	_ =	swait.ge [sflag:s16], $0x400  }
0x238: {  	[sflag:s16] =	ssyncset.done $0x0  }
0x239: {  	s3 =	simm.s32 $0x40;
	s2 =	simm.s32 $0x0;
	[sflag:s16] =	ssyncadd.s32 $0xFFFFFC00  }
.LBB2_52:
0x23a: {  	p0 =	sne.s32 s3, $0xFC0;
	v14 =	vld [tilespmem:s2+$0x1E910];
	_ =	sdelay $0x3  }
.Ltmp25:
0x23b: {  	(pc) =	sbr.rel @p0 .LBB2_52-.Ltmp25, $4  }
0x23c: {  	vm0 =	vgt.s32 v14, $0xF41FF  }
0x23d: {  	v15 =	vnsel vm0, $0x0, v12  }
0x23e: {  	v14 =	vadd.s32 v14, v15  }
0x23f: {  	[tilespmem:s2+$0x1E910] =	vst v14;
	s2 =	sshra.s32 s3, $0x2;
	s3 =	sadd.s32 $0x40, s3  }
0x240: {  	v14 =	vld [tilespmem:s2+$0x1E910];
	_ =	sdelay $0x4  }
0x241: {  	vm0 =	vgt.s32 v14, $0xF41FF  }
0x242: {  	v15 =	vnsel vm0, $0x0, v12  }
0x243: {  	v14 =	vadd.s32 v14, v15  }
0x244: {  	[tilespmem:s2+$0x1E910] =	vst v14  }
0x245: {  	[tilespmem:s31], [sflag:$0x2] =	stream.indirect.gather [spmem:s29], $0x1, s28, s17, $0xb8;
	[tilespmem:$0x1F910] =	vst v63  }
0x246: {  	_ =	swait.ge [sflag:s18], $0x400  }
0x247: {  	[sflag:s18] =	ssyncset.done $0x0  }
0x248: {  	s2 =	simm.s32 $0x0;
	[sflag:s18] =	ssyncadd.s32 $0xFFFFFC00  }
0x249: {  	s3 =	simm.s32 $0x40;
	v14 =	vld [tilespmem:s2+$0x1F110]  }
.LBB2_54:
0x24a: {  	p0 =	sne.s32 s3, $0xFC0;
	v15 =	vld [tilespmem:s2+$0x1F510];
	_ =	sdelay $0x2  }
.Ltmp26:
0x24b: {  	(pc) =	sbr.rel @p0 .LBB2_54-.Ltmp26, $4  }
0x24c: {  	_ = 	snop  }
0x24d: {  	v15 =	vadd.f32 v14, v15  }
0x24e: {  	s4 =	sshra.s32 s3, $0x2  }
0x24f: {  	s3 =	sadd.s32 $0x40, s3;
	v14 =	vld [tilespmem:s4+$0x1F110];
	[tilespmem:s2+$0x1F510] =	vst v15;
	s2 =	smov.u32 s4  }
0x250: {  	v15 =	vld [tilespmem:s2+$0x1F510];
	_ =	sdelay $0x4  }
0x251: {  	v14 =	vadd.f32 v14, v15;
	_ =	sdelay $0x1  }
0x252: {  	s4 =	simm.s32 $0x0;
	s21 =	rddreg [dreg:$0x19];
	s3 =	simm.s32 $0x1F510;
	[tilespmem:s2+$0x1F510] =	vst v14  }
0x253: {  	[hbm4b:s21+s4] =	stream.linear.scatter [tilespmem:s3], [sflag:$0x4], $0x400, $0x38;
	[tilespmem:$0x1F910] =	vst v63  }
0x254: {  	_ =	swait.ge [sflag:s1], $0x400  }
0x255: {  	s20 =	sadd.s32 $0x1, s20;
	s22 =	rddreg [dreg:$0x1a]  }
0x256: {  	p0 =	sne.s32 s20, s22  }
.Ltmp27:
0x257: {  	_ = 	snop;
	(pc) =	sbr.rel @p0 .LBB2_1-.Ltmp27, $3  }
0x258: {  	_ =	sdelay $0x1  }
0x259: {  	[sflag:s1] =	ssyncset.done $0x0  }
0x25a: {  	[sflag:s1] =	ssyncadd.s32 $0xFFFFFC00  }
0x25b: {  	_ =	sfence.sel $0x180000  }
0x25c: {  	[bflag:$0x0] =	sbarrier.arrive $0xFFFF  }
0x25d: {  	_ =	strace $0x90000047  }
0x25e: {  	s0 =	stileid.u32;
	[bflag:$0x2] =	sbarrier.arrive $0xFFFF  }
0x25f: {  	p0 =	sne.s32 s0, $0x0;
	s0 =	rddreg [dreg:$0x4]  }
0x260: {  	s0 =	sadd.s32 @!p0 $0x100000, s0  }
0x261: {  	[sflag:s0] =	ssyncadd.tile.s32 @!p0 $0x1;
	_ =	shalt  }
.Lfunc_end2:
_tile_overlayer_lowered:
.L_overlay_start_2:
0x262: {  	(tag) =	ssettag $0x2  }
0x263: {  	s0 =	rddreg [dreg:$0x0];
	s2 =	stileid.u32  }
0x264: {  	s1 =	rddreg [dreg:$0x1];
	p0 =	sne.s32 s2, $0x0  }
0x265: {  	s3 =	rddreg [dreg:$0x2];
	[bflag:$0x3] =	sbarrier.arrive $0xFFFF;
	s2 =	simm.s32 @!p0 $0x1C04  }
0x266: {  	[timem:s3], [sflag:s2] =	dma.local @!p0 [hbm:s0], s1  }
0x267: {  	s0 =	simm.s32 @!p0 $0x4  }
0x268: {  	_ =	swait.ge @!p0 [sflag:s0], s1  }
0x269: {  	s1 =	ssub.s32 @!p0 $0x0, s1;
	[sflag:s0] =	ssyncset.done @!p0 $0x0  }
0x26a: {  	[sflag:s0] =	ssyncadd.s32 @!p0 s1  }
0x26b: {  	[bflag:$0x3] =	sbarrier.arrive $0xFFFF  }
0x26c: {  	_ =	shalt  }

</sc_bundles>
